<compile_context>
chip_gen: v7x
topology: tpu7x:2x2x1
jax: 0.10.2.dev20260603
libtpu: 0.0.44.dev20260713+nightly
codegen_flags: <defaults>
</compile_context>

<pallas_src>
import functools

import jax
import jax.numpy as jnp
from jax import lax
from jax.experimental import pallas as pl
from jax.experimental.pallas import tpu as pltpu
from jax.experimental.pallas import tpu_sc as plsc

VOCAB = 100000
MAX_SEQ = 200
EMBED = 64
BATCH = 4096
PADD = 2 * EMBED

NROWS = BATCH * MAX_SEQ
_INFO = plsc.get_sparse_core_info()
NC, NS, L = _INFO.num_cores, _INFO.num_subcores, _INFO.num_lanes
NW = NC * NS
ROWS_PER_W = NROWS // NW
SEQ_PER_CHUNK = 2
CHUNK = SEQ_PER_CHUNK * MAX_SEQ
NCHUNKS = ROWS_PER_W // CHUNK
NPAIRS = NCHUNKS // 2
SUBG = 80
NSUBG = CHUNK // SUBG
D_SLICES = EMBED // L


def _emb_body(x_hbm, tok_hbm, pos_hbm, out_hbm,
              idx0, idx1, rows0, rows1, pos_v, gsem0, gsem1, ssem0, ssem1):
    wid = lax.axis_index("s") * NC + lax.axis_index("c")
    wbase = wid * ROWS_PER_W

    pltpu.sync_copy(pos_hbm, pos_v)

    def fire_gathers(idx_v, rows_v, sem):
        for g in range(NSUBG):
            pltpu.async_copy(
                tok_hbm.at[idx_v.at[pl.ds(g * SUBG, SUBG)]],
                rows_v.at[pl.ds(g * SUBG, SUBG)], sem)

    def drain(sem, rows_v):
        pltpu.make_async_copy(out_hbm.at[pl.ds(0, CHUNK)], rows_v, sem).wait()

    def add_pos(rows_v):
        def add_body(s, carry):
            for c in range(D_SLICES):
                p = pos_v[s, pl.ds(c * L, L)]
                for q in range(SEQ_PER_CHUNK):
                    r = q * MAX_SEQ + s
                    rows_v[r, pl.ds(c * L, L)] = rows_v[r, pl.ds(c * L, L)] + p
            return carry
        lax.fori_loop(0, MAX_SEQ, add_body, None)

    pltpu.sync_copy(x_hbm.at[pl.ds(wbase, CHUNK)], idx0)
    fire_gathers(idx0, rows0, gsem0)

    def pair_body(ci2, _):
        c0 = 2 * ci2
        base0 = wbase + c0 * CHUNK
        base1 = base0 + CHUNK

        pltpu.sync_copy(x_hbm.at[pl.ds(base1, CHUNK)], idx1)

        @pl.when(ci2 > 0)
        def _():
            drain(ssem1, rows1)

        fire_gathers(idx1, rows1, gsem1)

        drain(gsem0, rows0)
        add_pos(rows0)
        pltpu.async_copy(rows0, out_hbm.at[pl.ds(base0, CHUNK)], ssem0)

        @pl.when(ci2 + 1 < NPAIRS)
        def _():
            pltpu.sync_copy(x_hbm.at[pl.ds(base1 + CHUNK, CHUNK)], idx0)
            drain(ssem0, rows0)
            fire_gathers(idx0, rows0, gsem0)

        drain(gsem1, rows1)
        add_pos(rows1)
        pltpu.async_copy(rows1, out_hbm.at[pl.ds(base1, CHUNK)], ssem1)
        return _

    lax.fori_loop(0, NPAIRS, pair_body, None)
    drain(ssem0, rows0)
    drain(ssem1, rows1)


@functools.partial(
    pl.kernel,
    mesh=plsc.VectorSubcoreMesh(core_axis_name="c", subcore_axis_name="s"),
    compiler_params=pltpu.CompilerParams(use_tc_tiling_on_sc=False),
    out_type=jax.ShapeDtypeStruct((NROWS, PADD), jnp.float32),
    scratch_types=[
        pltpu.VMEM((CHUNK,), jnp.int32),
        pltpu.VMEM((CHUNK,), jnp.int32),
        pltpu.VMEM((CHUNK, PADD), jnp.float32),
        pltpu.VMEM((CHUNK, PADD), jnp.float32),
        pltpu.VMEM((MAX_SEQ, EMBED), jnp.float32),
        pltpu.SemaphoreType.DMA,
        pltpu.SemaphoreType.DMA,
        pltpu.SemaphoreType.DMA,
        pltpu.SemaphoreType.DMA,
    ],
)
def _emb_kernel(x_hbm, tok_hbm, pos_hbm, out_hbm,
                idx0, idx1, rows0, rows1, pos_v, gsem0, gsem1, ssem0, ssem1):
    _emb_body(x_hbm, tok_hbm, pos_hbm, out_hbm,
              idx0, idx1, rows0, rows1, pos_v, gsem0, gsem1, ssem0, ssem1)


def kernel(x, token_table, pos_table):
    x_flat = x.reshape(-1).astype(jnp.int32)
    tok_pad = jnp.pad(token_table, ((0, 0), (0, PADD - EMBED)))
    out = _emb_kernel(x_flat, tok_pad, pos_table)
    return out[:, :EMBED].reshape(BATCH, MAX_SEQ, EMBED)

# --- scband reference (transcript-rebuilt; emitter-appended) ---
"""Pipeline reference for scband-token-and-position-embedding-78116865180298 (READ-ONLY COPY).

The authoritative reference and input builder live on the scoring server;
editing this copy changes nothing except your own understanding.
"""

import jax, jax.numpy as jnp
import numpy as np

VOCAB = 100000
MAX_SEQ = 200
EMBED = 64
BATCH = 4096


def setup_inputs(seed: int = 0) -> dict:
    key = jax.random.key(seed)
    k1, k2, k3 = jax.random.split(key, 3)
    x = jax.random.randint(k1, (BATCH, MAX_SEQ), 0, VOCAB, dtype=jnp.int64 if jax.config.jax_enable_x64 else jnp.int32)
    token_table = jax.random.normal(k2, (VOCAB, EMBED), dtype=jnp.float32) * 0.02
    pos_table = jax.random.normal(k3, (MAX_SEQ, EMBED), dtype=jnp.float32) * 0.02
    return {"x": x, "token_table": token_table, "pos_table": pos_table}


def reference(x, token_table, pos_table):
    seq_len = x.shape[-1]
    positions = jnp.arange(0, seq_len)
    pos_emb = jnp.take(pos_table, positions, axis=0)          # [S, D]
    tok_emb = jnp.take(token_table, x, axis=0)                 # [B, S, D]
    return tok_emb + pos_emb

if __name__ == "__main__":
    import jax
    _d = setup_inputs()
    print(jax.jit(kernel)(*tuple(_d.values())))

</pallas_src>

<mosaic_0001>
#map = affine_map<(d0, d1) -> (0)>
#map1 = affine_map<(d0, d1) -> (0, 0)>
module attributes {stable_mosaic.version = 14 : i64} {
  func.func @_emb_kernel(%arg0: i32, %arg1: i32, %arg2: memref<819200xi32, #tpu.memory_space<hbm>>, %arg3: memref<100000x128xf32, #tpu.memory_space<hbm>>, %arg4: memref<200x64xf32, #tpu.memory_space<hbm>>, %arg5: memref<819200x128xf32, #tpu.memory_space<hbm>>, %arg6: memref<400xi32, #tpu.memory_space<vmem>>, %arg7: memref<400xi32, #tpu.memory_space<vmem>>, %arg8: memref<400x128xf32, #tpu.memory_space<vmem>>, %arg9: memref<400x128xf32, #tpu.memory_space<vmem>>, %arg10: memref<200x64xf32, #tpu.memory_space<vmem>>, %arg11: memref<!tpu.dma_semaphore, #tpu.memory_space<semaphore_mem>>, %arg12: memref<!tpu.dma_semaphore, #tpu.memory_space<semaphore_mem>>, %arg13: memref<!tpu.dma_semaphore, #tpu.memory_space<semaphore_mem>>, %arg14: memref<!tpu.dma_semaphore, #tpu.memory_space<semaphore_mem>>) attributes {dimension_semantics = [#tpu.dimension_semantics<core_parallel>, #tpu.dimension_semantics<subcore_parallel>], iteration_bounds = array<i64: 2, 16>, scalar_prefetch = 0 : i64, scratch_operands = 9 : i64, tpu.core_type = #tpu.core_type<sc_vector_subcore>, window_params = [{transform_indices = #map}, {transform_indices = #map1}, {transform_indices = #map1}, {transform_indices = #map1}]} {
    %mul3A = arith.constant 2 : i32
    %mul3A_0 = arith.muli %arg1, %mul3A : i32
    %add3A = arith.addi %mul3A_0, %arg0 : i32
    %mul3A_1 = arith.constant 25600 : i32
    %mul3A_2 = arith.muli %add3A, %mul3A_1 : i32
    "tpu.region"() ({
      %run_scoped3A = tpu.sem_alloc : memref<!tpu.dma_semaphore, #tpu.memory_space<semaphore_mem>>
      tpu.enqueue_dma source(%arg4 : memref<200x64xf32, #tpu.memory_space<hbm>>) target(%arg10 : memref<200x64xf32, #tpu.memory_space<vmem>>) target_semaphore(%run_scoped3A : memref<!tpu.dma_semaphore, #tpu.memory_space<semaphore_mem>>)
      tpu.wait_dma2 semaphore(%run_scoped3A : memref<!tpu.dma_semaphore, #tpu.memory_space<semaphore_mem>>) src(%arg4 : memref<200x64xf32, #tpu.memory_space<hbm>>) dst(%arg10 : memref<200x64xf32, #tpu.memory_space<vmem>>)
      tpu.yield
    }) : () -> ()
    "tpu.region"() ({
      %run_scoped3A = tpu.sem_alloc : memref<!tpu.dma_semaphore, #tpu.memory_space<semaphore_mem>>
      %dma_start3A_57 = tpu.memref_slice %arg2[%mul3A_2] : memref<819200xi32, #tpu.memory_space<hbm>> -> memref<400xi32, #tpu.memory_space<hbm>>
      %dma_start3A_58 = tpu.memref_slice %arg2[%mul3A_2] : memref<819200xi32, #tpu.memory_space<hbm>> -> memref<400xi32, #tpu.memory_space<hbm>>
      tpu.enqueue_dma source(%dma_start3A_58 : memref<400xi32, #tpu.memory_space<hbm>>) target(%arg6 : memref<400xi32, #tpu.memory_space<vmem>>) target_semaphore(%run_scoped3A : memref<!tpu.dma_semaphore, #tpu.memory_space<semaphore_mem>>)
      %dma_wait3A_59 = tpu.memref_slice %arg2[%mul3A_2] : memref<819200xi32, #tpu.memory_space<hbm>> -> memref<400xi32, #tpu.memory_space<hbm>>
      %dma_wait3A_60 = tpu.memref_slice %arg2[%mul3A_2] : memref<819200xi32, #tpu.memory_space<hbm>> -> memref<400xi32, #tpu.memory_space<hbm>>
      tpu.wait_dma2 semaphore(%run_scoped3A : memref<!tpu.dma_semaphore, #tpu.memory_space<semaphore_mem>>) src(%dma_wait3A_60 : memref<400xi32, #tpu.memory_space<hbm>>) dst(%arg6 : memref<400xi32, #tpu.memory_space<vmem>>)
      tpu.yield
    }) : () -> ()
    %dma_start3A = arith.constant 0 : i32
    %dma_start3A_3 = arith.constant 0 : i32
    %dma_start3A_4 = tpu.memref_slice %arg8[%dma_start3A, %dma_start3A_3] : memref<400x128xf32, #tpu.memory_space<vmem>> -> memref<80x128xf32, #tpu.memory_space<vmem>>
    %dma_start3A_5 = arith.constant 0 : i32
    %dma_start3A_6 = tpu.memref_slice %arg6[%dma_start3A_5] : memref<400xi32, #tpu.memory_space<vmem>> -> memref<80xi32, #tpu.memory_space<vmem>>
    %dma_start3A_7 = arith.constant 0 : i32
    %dma_start3A_8 = arith.constant 0 : i32
    %dma_start3A_9 = tpu.memref_slice %arg3[%dma_start3A_7, %dma_start3A_8] : memref<100000x128xf32, #tpu.memory_space<hbm>> -> memref<100000x128xf32, #tpu.memory_space<hbm>>
    tpu.enqueue_indirect_dma source(%dma_start3A_9 : memref<100000x128xf32, #tpu.memory_space<hbm>>) target(%dma_start3A_4 : memref<80x128xf32, #tpu.memory_space<vmem>>) offsets(%dma_start3A_6 : memref<80xi32, #tpu.memory_space<vmem>>) semaphore(%arg11 : memref<!tpu.dma_semaphore, #tpu.memory_space<semaphore_mem>>)
    %dma_start3A_10 = arith.constant 80 : i32
    %dma_start3A_11 = arith.constant 0 : i32
    %dma_start3A_12 = tpu.memref_slice %arg8[%dma_start3A_10, %dma_start3A_11] : memref<400x128xf32, #tpu.memory_space<vmem>> -> memref<80x128xf32, #tpu.memory_space<vmem>>
    %dma_start3A_13 = arith.constant 80 : i32
    %dma_start3A_14 = tpu.memref_slice %arg6[%dma_start3A_13] : memref<400xi32, #tpu.memory_space<vmem>> -> memref<80xi32, #tpu.memory_space<vmem>>
    %dma_start3A_15 = arith.constant 0 : i32
    %dma_start3A_16 = arith.constant 0 : i32
    %dma_start3A_17 = tpu.memref_slice %arg3[%dma_start3A_15, %dma_start3A_16] : memref<100000x128xf32, #tpu.memory_space<hbm>> -> memref<100000x128xf32, #tpu.memory_space<hbm>>
    tpu.enqueue_indirect_dma source(%dma_start3A_17 : memref<100000x128xf32, #tpu.memory_space<hbm>>) target(%dma_start3A_12 : memref<80x128xf32, #tpu.memory_space<vmem>>) offsets(%dma_start3A_14 : memref<80xi32, #tpu.memory_space<vmem>>) semaphore(%arg11 : memref<!tpu.dma_semaphore, #tpu.memory_space<semaphore_mem>>)
    %dma_start3A_18 = arith.constant 160 : i32
    %dma_start3A_19 = arith.constant 0 : i32
    %dma_start3A_20 = tpu.memref_slice %arg8[%dma_start3A_18, %dma_start3A_19] : memref<400x128xf32, #tpu.memory_space<vmem>> -> memref<80x128xf32, #tpu.memory_space<vmem>>
    %dma_start3A_21 = arith.constant 160 : i32
    %dma_start3A_22 = tpu.memref_slice %arg6[%dma_start3A_21] : memref<400xi32, #tpu.memory_space<vmem>> -> memref<80xi32, #tpu.memory_space<vmem>>
    %dma_start3A_23 = arith.constant 0 : i32
    %dma_start3A_24 = arith.constant 0 : i32
    %dma_start3A_25 = tpu.memref_slice %arg3[%dma_start3A_23, %dma_start3A_24] : memref<100000x128xf32, #tpu.memory_space<hbm>> -> memref<100000x128xf32, #tpu.memory_space<hbm>>
    tpu.enqueue_indirect_dma source(%dma_start3A_25 : memref<100000x128xf32, #tpu.memory_space<hbm>>) target(%dma_start3A_20 : memref<80x128xf32, #tpu.memory_space<vmem>>) offsets(%dma_start3A_22 : memref<80xi32, #tpu.memory_space<vmem>>) semaphore(%arg11 : memref<!tpu.dma_semaphore, #tpu.memory_space<semaphore_mem>>)
    %dma_start3A_26 = arith.constant 240 : i32
    %dma_start3A_27 = arith.constant 0 : i32
    %dma_start3A_28 = tpu.memref_slice %arg8[%dma_start3A_26, %dma_start3A_27] : memref<400x128xf32, #tpu.memory_space<vmem>> -> memref<80x128xf32, #tpu.memory_space<vmem>>
    %dma_start3A_29 = arith.constant 240 : i32
    %dma_start3A_30 = tpu.memref_slice %arg6[%dma_start3A_29] : memref<400xi32, #tpu.memory_space<vmem>> -> memref<80xi32, #tpu.memory_space<vmem>>
    %dma_start3A_31 = arith.constant 0 : i32
    %dma_start3A_32 = arith.constant 0 : i32
    %dma_start3A_33 = tpu.memref_slice %arg3[%dma_start3A_31, %dma_start3A_32] : memref<100000x128xf32, #tpu.memory_space<hbm>> -> memref<100000x128xf32, #tpu.memory_space<hbm>>
    tpu.enqueue_indirect_dma source(%dma_start3A_33 : memref<100000x128xf32, #tpu.memory_space<hbm>>) target(%dma_start3A_28 : memref<80x128xf32, #tpu.memory_space<vmem>>) offsets(%dma_start3A_30 : memref<80xi32, #tpu.memory_space<vmem>>) semaphore(%arg11 : memref<!tpu.dma_semaphore, #tpu.memory_space<semaphore_mem>>)
    %dma_start3A_34 = arith.constant 320 : i32
    %dma_start3A_35 = arith.constant 0 : i32
    %dma_start3A_36 = tpu.memref_slice %arg8[%dma_start3A_34, %dma_start3A_35] : memref<400x128xf32, #tpu.memory_space<vmem>> -> memref<80x128xf32, #tpu.memory_space<vmem>>
    %dma_start3A_37 = arith.constant 320 : i32
    %dma_start3A_38 = tpu.memref_slice %arg6[%dma_start3A_37] : memref<400xi32, #tpu.memory_space<vmem>> -> memref<80xi32, #tpu.memory_space<vmem>>
    %dma_start3A_39 = arith.constant 0 : i32
    %dma_start3A_40 = arith.constant 0 : i32
    %dma_start3A_41 = tpu.memref_slice %arg3[%dma_start3A_39, %dma_start3A_40] : memref<100000x128xf32, #tpu.memory_space<hbm>> -> memref<100000x128xf32, #tpu.memory_space<hbm>>
    tpu.enqueue_indirect_dma source(%dma_start3A_41 : memref<100000x128xf32, #tpu.memory_space<hbm>>) target(%dma_start3A_36 : memref<80x128xf32, #tpu.memory_space<vmem>>) offsets(%dma_start3A_38 : memref<80xi32, #tpu.memory_space<vmem>>) semaphore(%arg11 : memref<!tpu.dma_semaphore, #tpu.memory_space<semaphore_mem>>)
    %scan3A = arith.constant 0 : i32
    %scan3A_42 = arith.constant 32 : i32
    %scan3A_43 = arith.addi %scan3A, %scan3A_42 : i32
    %scan3A_44 = arith.constant 1 : i32
    scf.for %scan3A_57 = %scan3A to %scan3A_43 step %scan3A_44  : i32 {
      %mul3A_58 = arith.constant 2 : i32
      %mul3A_59 = arith.muli %mul3A_58, %scan3A_57 : i32
      %mul3A_60 = arith.constant 400 : i32
      %mul3A_61 = arith.muli %mul3A_59, %mul3A_60 : i32
      %add3A_62 = arith.addi %mul3A_2, %mul3A_61 : i32
      %add3A_63 = arith.constant 400 : i32
      %add3A_64 = arith.addi %add3A_62, %add3A_63 : i32
      "tpu.region"() ({
        %run_scoped3A = tpu.sem_alloc : memref<!tpu.dma_semaphore, #tpu.memory_space<semaphore_mem>>
        %dma_start3A_143 = tpu.memref_slice %arg2[%add3A_64] : memref<819200xi32, #tpu.memory_space<hbm>> -> memref<400xi32, #tpu.memory_space<hbm>>
        %dma_start3A_144 = tpu.memref_slice %arg2[%add3A_64] : memref<819200xi32, #tpu.memory_space<hbm>> -> memref<400xi32, #tpu.memory_space<hbm>>
        tpu.enqueue_dma source(%dma_start3A_144 : memref<400xi32, #tpu.memory_space<hbm>>) target(%arg7 : memref<400xi32, #tpu.memory_space<vmem>>) target_semaphore(%run_scoped3A : memref<!tpu.dma_semaphore, #tpu.memory_space<semaphore_mem>>)
        %dma_wait3A_145 = tpu.memref_slice %arg2[%add3A_64] : memref<819200xi32, #tpu.memory_space<hbm>> -> memref<400xi32, #tpu.memory_space<hbm>>
        %dma_wait3A_146 = tpu.memref_slice %arg2[%add3A_64] : memref<819200xi32, #tpu.memory_space<hbm>> -> memref<400xi32, #tpu.memory_space<hbm>>
        tpu.wait_dma2 semaphore(%run_scoped3A : memref<!tpu.dma_semaphore, #tpu.memory_space<semaphore_mem>>) src(%dma_wait3A_146 : memref<400xi32, #tpu.memory_space<hbm>>) dst(%arg7 : memref<400xi32, #tpu.memory_space<vmem>>)
        tpu.yield
      }) : () -> ()
      %gt3A = arith.constant 0 : i32
      %gt3A_65 = arith.cmpi sgt, %scan3A_57, %gt3A : i32
      %convert_element_type3A = arith.extui %gt3A_65 : i1 to i32
      %cond3A = arith.constant 0 : i32
      %cond3A_66 = arith.cmpi ne, %convert_element_type3A, %cond3A : i32
      scf.if %cond3A_66 {
        %dma_wait3A_143 = arith.constant 0 : i32
        %dma_wait3A_144 = arith.constant 0 : i32
        %dma_wait3A_145 = tpu.memref_slice %arg5[%dma_wait3A_143, %dma_wait3A_144] : memref<819200x128xf32, #tpu.memory_space<hbm>> -> memref<400x128xf32, #tpu.memory_space<hbm>>
        %dma_wait3A_146 = arith.constant 0 : i32
        %dma_wait3A_147 = arith.constant 0 : i32
        %dma_wait3A_148 = tpu.memref_slice %arg5[%dma_wait3A_146, %dma_wait3A_147] : memref<819200x128xf32, #tpu.memory_space<hbm>> -> memref<400x128xf32, #tpu.memory_space<hbm>>
        tpu.wait_dma2 semaphore(%arg14 : memref<!tpu.dma_semaphore, #tpu.memory_space<semaphore_mem>>) src(%dma_wait3A_148 : memref<400x128xf32, #tpu.memory_space<hbm>>) dst(%arg9 : memref<400x128xf32, #tpu.memory_space<vmem>>)
      } else {
      }
      %dma_start3A_67 = arith.constant 0 : i32
      %dma_start3A_68 = arith.constant 0 : i32
      %dma_start3A_69 = tpu.memref_slice %arg9[%dma_start3A_67, %dma_start3A_68] : memref<400x128xf32, #tpu.memory_space<vmem>> -> memref<80x128xf32, #tpu.memory_space<vmem>>
      %dma_start3A_70 = arith.constant 0 : i32
      %dma_start3A_71 = tpu.memref_slice %arg7[%dma_start3A_70] : memref<400xi32, #tpu.memory_space<vmem>> -> memref<80xi32, #tpu.memory_space<vmem>>
      %dma_start3A_72 = arith.constant 0 : i32
      %dma_start3A_73 = arith.constant 0 : i32
      %dma_start3A_74 = tpu.memref_slice %arg3[%dma_start3A_72, %dma_start3A_73] : memref<100000x128xf32, #tpu.memory_space<hbm>> -> memref<100000x128xf32, #tpu.memory_space<hbm>>
      tpu.enqueue_indirect_dma source(%dma_start3A_74 : memref<100000x128xf32, #tpu.memory_space<hbm>>) target(%dma_start3A_69 : memref<80x128xf32, #tpu.memory_space<vmem>>) offsets(%dma_start3A_71 : memref<80xi32, #tpu.memory_space<vmem>>) semaphore(%arg12 : memref<!tpu.dma_semaphore, #tpu.memory_space<semaphore_mem>>)
      %dma_start3A_75 = arith.constant 80 : i32
      %dma_start3A_76 = arith.constant 0 : i32
      %dma_start3A_77 = tpu.memref_slice %arg9[%dma_start3A_75, %dma_start3A_76] : memref<400x128xf32, #tpu.memory_space<vmem>> -> memref<80x128xf32, #tpu.memory_space<vmem>>
      %dma_start3A_78 = arith.constant 80 : i32
      %dma_start3A_79 = tpu.memref_slice %arg7[%dma_start3A_78] : memref<400xi32, #tpu.memory_space<vmem>> -> memref<80xi32, #tpu.memory_space<vmem>>
      %dma_start3A_80 = arith.constant 0 : i32
      %dma_start3A_81 = arith.constant 0 : i32
      %dma_start3A_82 = tpu.memref_slice %arg3[%dma_start3A_80, %dma_start3A_81] : memref<100000x128xf32, #tpu.memory_space<hbm>> -> memref<100000x128xf32, #tpu.memory_space<hbm>>
      tpu.enqueue_indirect_dma source(%dma_start3A_82 : memref<100000x128xf32, #tpu.memory_space<hbm>>) target(%dma_start3A_77 : memref<80x128xf32, #tpu.memory_space<vmem>>) offsets(%dma_start3A_79 : memref<80xi32, #tpu.memory_space<vmem>>) semaphore(%arg12 : memref<!tpu.dma_semaphore, #tpu.memory_space<semaphore_mem>>)
      %dma_start3A_83 = arith.constant 160 : i32
      %dma_start3A_84 = arith.constant 0 : i32
      %dma_start3A_85 = tpu.memref_slice %arg9[%dma_start3A_83, %dma_start3A_84] : memref<400x128xf32, #tpu.memory_space<vmem>> -> memref<80x128xf32, #tpu.memory_space<vmem>>
      %dma_start3A_86 = arith.constant 160 : i32
      %dma_start3A_87 = tpu.memref_slice %arg7[%dma_start3A_86] : memref<400xi32, #tpu.memory_space<vmem>> -> memref<80xi32, #tpu.memory_space<vmem>>
      %dma_start3A_88 = arith.constant 0 : i32
      %dma_start3A_89 = arith.constant 0 : i32
      %dma_start3A_90 = tpu.memref_slice %arg3[%dma_start3A_88, %dma_start3A_89] : memref<100000x128xf32, #tpu.memory_space<hbm>> -> memref<100000x128xf32, #tpu.memory_space<hbm>>
      tpu.enqueue_indirect_dma source(%dma_start3A_90 : memref<100000x128xf32, #tpu.memory_space<hbm>>) target(%dma_start3A_85 : memref<80x128xf32, #tpu.memory_space<vmem>>) offsets(%dma_start3A_87 : memref<80xi32, #tpu.memory_space<vmem>>) semaphore(%arg12 : memref<!tpu.dma_semaphore, #tpu.memory_space<semaphore_mem>>)
      %dma_start3A_91 = arith.constant 240 : i32
      %dma_start3A_92 = arith.constant 0 : i32
      %dma_start3A_93 = tpu.memref_slice %arg9[%dma_start3A_91, %dma_start3A_92] : memref<400x128xf32, #tpu.memory_space<vmem>> -> memref<80x128xf32, #tpu.memory_space<vmem>>
      %dma_start3A_94 = arith.constant 240 : i32
      %dma_start3A_95 = tpu.memref_slice %arg7[%dma_start3A_94] : memref<400xi32, #tpu.memory_space<vmem>> -> memref<80xi32, #tpu.memory_space<vmem>>
      %dma_start3A_96 = arith.constant 0 : i32
      %dma_start3A_97 = arith.constant 0 : i32
      %dma_start3A_98 = tpu.memref_slice %arg3[%dma_start3A_96, %dma_start3A_97] : memref<100000x128xf32, #tpu.memory_space<hbm>> -> memref<100000x128xf32, #tpu.memory_space<hbm>>
      tpu.enqueue_indirect_dma source(%dma_start3A_98 : memref<100000x128xf32, #tpu.memory_space<hbm>>) target(%dma_start3A_93 : memref<80x128xf32, #tpu.memory_space<vmem>>) offsets(%dma_start3A_95 : memref<80xi32, #tpu.memory_space<vmem>>) semaphore(%arg12 : memref<!tpu.dma_semaphore, #tpu.memory_space<semaphore_mem>>)
      %dma_start3A_99 = arith.constant 320 : i32
      %dma_start3A_100 = arith.constant 0 : i32
      %dma_start3A_101 = tpu.memref_slice %arg9[%dma_start3A_99, %dma_start3A_100] : memref<400x128xf32, #tpu.memory_space<vmem>> -> memref<80x128xf32, #tpu.memory_space<vmem>>
      %dma_start3A_102 = arith.constant 320 : i32
      %dma_start3A_103 = tpu.memref_slice %arg7[%dma_start3A_102] : memref<400xi32, #tpu.memory_space<vmem>> -> memref<80xi32, #tpu.memory_space<vmem>>
      %dma_start3A_104 = arith.constant 0 : i32
      %dma_start3A_105 = arith.constant 0 : i32
      %dma_start3A_106 = tpu.memref_slice %arg3[%dma_start3A_104, %dma_start3A_105] : memref<100000x128xf32, #tpu.memory_space<hbm>> -> memref<100000x128xf32, #tpu.memory_space<hbm>>
      tpu.enqueue_indirect_dma source(%dma_start3A_106 : memref<100000x128xf32, #tpu.memory_space<hbm>>) target(%dma_start3A_101 : memref<80x128xf32, #tpu.memory_space<vmem>>) offsets(%dma_start3A_103 : memref<80xi32, #tpu.memory_space<vmem>>) semaphore(%arg12 : memref<!tpu.dma_semaphore, #tpu.memory_space<semaphore_mem>>)
      %dma_wait3A_107 = arith.constant 0 : i32
      %dma_wait3A_108 = arith.constant 0 : i32
      %dma_wait3A_109 = tpu.memref_slice %arg5[%dma_wait3A_107, %dma_wait3A_108] : memref<819200x128xf32, #tpu.memory_space<hbm>> -> memref<400x128xf32, #tpu.memory_space<hbm>>
      %dma_wait3A_110 = arith.constant 0 : i32
      %dma_wait3A_111 = arith.constant 0 : i32
      %dma_wait3A_112 = tpu.memref_slice %arg5[%dma_wait3A_110, %dma_wait3A_111] : memref<819200x128xf32, #tpu.memory_space<hbm>> -> memref<400x128xf32, #tpu.memory_space<hbm>>
      tpu.wait_dma2 semaphore(%arg11 : memref<!tpu.dma_semaphore, #tpu.memory_space<semaphore_mem>>) src(%dma_wait3A_112 : memref<400x128xf32, #tpu.memory_space<hbm>>) dst(%arg8 : memref<400x128xf32, #tpu.memory_space<vmem>>)
      %scan3A_113 = arith.constant 0 : i32
      %scan3A_114 = arith.constant 200 : i32
      %scan3A_115 = arith.addi %scan3A_113, %scan3A_114 : i32
      %scan3A_116 = arith.constant 1 : i32
      scf.for %scan3A_143 = %scan3A_113 to %scan3A_115 step %scan3A_116  : i32 {
        %get3A = arith.index_cast %scan3A_143 : i32 to index
        %get3A_144 = arith.constant 0 : index
        %get3A_145 = tpu.vector_load %arg10[%get3A, %get3A_144] {strides = array<i32>} : memref<200x64xf32, #tpu.memory_space<vmem>>, vector<1x16xf32>,
        %get3A_146 = vector.shape_cast %get3A_145 : vector<1x16xf32> to vector<16xf32>
        %add3A_147 = arith.constant 0 : i32
        %add3A_148 = arith.addi %add3A_147, %scan3A_143 : i32
        %get3A_149 = arith.index_cast %add3A_148 : i32 to index
        %get3A_150 = arith.constant 0 : index
        %get3A_151 = tpu.vector_load %arg8[%get3A_149, %get3A_150] {strides = array<i32>} : memref<400x128xf32, #tpu.memory_space<vmem>>, vector<1x16xf32>,
        %get3A_152 = vector.shape_cast %get3A_151 : vector<1x16xf32> to vector<16xf32>
        %add3A_153 = arith.addf %get3A_152, %get3A_146 : vector<16xf32>
        %swap3A = arith.index_cast %add3A_148 : i32 to index
        %swap3A_154 = arith.constant 0 : index
        %swap3A_155 = tpu.vector_load %arg8[%swap3A, %swap3A_154] {strides = array<i32>} : memref<400x128xf32, #tpu.memory_space<vmem>>, vector<1x16xf32>,
        %swap3A_156 = vector.shape_cast %swap3A_155 : vector<1x16xf32> to vector<16xf32>
        %swap3A_157 = vector.shape_cast %add3A_153 : vector<16xf32> to vector<1x16xf32>
        tpu.vector_store %arg8[%swap3A, %swap3A_154], %swap3A_157 {strides = array<i32>} : memref<400x128xf32, #tpu.memory_space<vmem>>, vector<1x16xf32>,
        %add3A_158 = arith.constant 200 : i32
        %add3A_159 = arith.addi %add3A_158, %scan3A_143 : i32
        %get3A_160 = arith.index_cast %add3A_159 : i32 to index
        %get3A_161 = arith.constant 0 : index
        %get3A_162 = tpu.vector_load %arg8[%get3A_160, %get3A_161] {strides = array<i32>} : memref<400x128xf32, #tpu.memory_space<vmem>>, vector<1x16xf32>,
        %get3A_163 = vector.shape_cast %get3A_162 : vector<1x16xf32> to vector<16xf32>
        %add3A_164 = arith.addf %get3A_163, %get3A_146 : vector<16xf32>
        %swap3A_165 = arith.index_cast %add3A_159 : i32 to index
        %swap3A_166 = arith.constant 0 : index
        %swap3A_167 = tpu.vector_load %arg8[%swap3A_165, %swap3A_166] {strides = array<i32>} : memref<400x128xf32, #tpu.memory_space<vmem>>, vector<1x16xf32>,
        %swap3A_168 = vector.shape_cast %swap3A_167 : vector<1x16xf32> to vector<16xf32>
        %swap3A_169 = vector.shape_cast %add3A_164 : vector<16xf32> to vector<1x16xf32>
        tpu.vector_store %arg8[%swap3A_165, %swap3A_166], %swap3A_169 {strides = array<i32>} : memref<400x128xf32, #tpu.memory_space<vmem>>, vector<1x16xf32>,
        %get3A_170 = arith.index_cast %scan3A_143 : i32 to index
        %get3A_171 = arith.constant 16 : index
        %get3A_172 = tpu.vector_load %arg10[%get3A_170, %get3A_171] {strides = array<i32>} : memref<200x64xf32, #tpu.memory_space<vmem>>, vector<1x16xf32>,
        %get3A_173 = vector.shape_cast %get3A_172 : vector<1x16xf32> to vector<16xf32>
        %add3A_174 = arith.constant 0 : i32
        %add3A_175 = arith.addi %add3A_174, %scan3A_143 : i32
        %get3A_176 = arith.index_cast %add3A_175 : i32 to index
        %get3A_177 = arith.constant 16 : index
        %get3A_178 = tpu.vector_load %arg8[%get3A_176, %get3A_177] {strides = array<i32>} : memref<400x128xf32, #tpu.memory_space<vmem>>, vector<1x16xf32>,
        %get3A_179 = vector.shape_cast %get3A_178 : vector<1x16xf32> to vector<16xf32>
        %add3A_180 = arith.addf %get3A_179, %get3A_173 : vector<16xf32>
        %swap3A_181 = arith.index_cast %add3A_175 : i32 to index
        %swap3A_182 = arith.constant 16 : index
        %swap3A_183 = tpu.vector_load %arg8[%swap3A_181, %swap3A_182] {strides = array<i32>} : memref<400x128xf32, #tpu.memory_space<vmem>>, vector<1x16xf32>,
        %swap3A_184 = vector.shape_cast %swap3A_183 : vector<1x16xf32> to vector<16xf32>
        %swap3A_185 = vector.shape_cast %add3A_180 : vector<16xf32> to vector<1x16xf32>
        tpu.vector_store %arg8[%swap3A_181, %swap3A_182], %swap3A_185 {strides = array<i32>} : memref<400x128xf32, #tpu.memory_space<vmem>>, vector<1x16xf32>,
        %add3A_186 = arith.constant 200 : i32
        %add3A_187 = arith.addi %add3A_186, %scan3A_143 : i32
        %get3A_188 = arith.index_cast %add3A_187 : i32 to index
        %get3A_189 = arith.constant 16 : index
        %get3A_190 = tpu.vector_load %arg8[%get3A_188, %get3A_189] {strides = array<i32>} : memref<400x128xf32, #tpu.memory_space<vmem>>, vector<1x16xf32>,
        %get3A_191 = vector.shape_cast %get3A_190 : vector<1x16xf32> to vector<16xf32>
        %add3A_192 = arith.addf %get3A_191, %get3A_173 : vector<16xf32>
        %swap3A_193 = arith.index_cast %add3A_187 : i32 to index
        %swap3A_194 = arith.constant 16 : index
        %swap3A_195 = tpu.vector_load %arg8[%swap3A_193, %swap3A_194] {strides = array<i32>} : memref<400x128xf32, #tpu.memory_space<vmem>>, vector<1x16xf32>,
        %swap3A_196 = vector.shape_cast %swap3A_195 : vector<1x16xf32> to vector<16xf32>
        %swap3A_197 = vector.shape_cast %add3A_192 : vector<16xf32> to vector<1x16xf32>
        tpu.vector_store %arg8[%swap3A_193, %swap3A_194], %swap3A_197 {strides = array<i32>} : memref<400x128xf32, #tpu.memory_space<vmem>>, vector<1x16xf32>,
        %get3A_198 = arith.index_cast %scan3A_143 : i32 to index
        %get3A_199 = arith.constant 32 : index
        %get3A_200 = tpu.vector_load %arg10[%get3A_198, %get3A_199] {strides = array<i32>} : memref<200x64xf32, #tpu.memory_space<vmem>>, vector<1x16xf32>,
        %get3A_201 = vector.shape_cast %get3A_200 : vector<1x16xf32> to vector<16xf32>
        %add3A_202 = arith.constant 0 : i32
        %add3A_203 = arith.addi %add3A_202, %scan3A_143 : i32
        %get3A_204 = arith.index_cast %add3A_203 : i32 to index
        %get3A_205 = arith.constant 32 : index
        %get3A_206 = tpu.vector_load %arg8[%get3A_204, %get3A_205] {strides = array<i32>} : memref<400x128xf32, #tpu.memory_space<vmem>>, vector<1x16xf32>,
        %get3A_207 = vector.shape_cast %get3A_206 : vector<1x16xf32> to vector<16xf32>
        %add3A_208 = arith.addf %get3A_207, %get3A_201 : vector<16xf32>
        %swap3A_209 = arith.index_cast %add3A_203 : i32 to index
        %swap3A_210 = arith.constant 32 : index
        %swap3A_211 = tpu.vector_load %arg8[%swap3A_209, %swap3A_210] {strides = array<i32>} : memref<400x128xf32, #tpu.memory_space<vmem>>, vector<1x16xf32>,
        %swap3A_212 = vector.shape_cast %swap3A_211 : vector<1x16xf32> to vector<16xf32>
        %swap3A_213 = vector.shape_cast %add3A_208 : vector<16xf32> to vector<1x16xf32>
        tpu.vector_store %arg8[%swap3A_209, %swap3A_210], %swap3A_213 {strides = array<i32>} : memref<400x128xf32, #tpu.memory_space<vmem>>, vector<1x16xf32>,
        %add3A_214 = arith.constant 200 : i32
        %add3A_215 = arith.addi %add3A_214, %scan3A_143 : i32
        %get3A_216 = arith.index_cast %add3A_215 : i32 to index
        %get3A_217 = arith.constant 32 : index
        %get3A_218 = tpu.vector_load %arg8[%get3A_216, %get3A_217] {strides = array<i32>} : memref<400x128xf32, #tpu.memory_space<vmem>>, vector<1x16xf32>,
        %get3A_219 = vector.shape_cast %get3A_218 : vector<1x16xf32> to vector<16xf32>
        %add3A_220 = arith.addf %get3A_219, %get3A_201 : vector<16xf32>
        %swap3A_221 = arith.index_cast %add3A_215 : i32 to index
        %swap3A_222 = arith.constant 32 : index
        %swap3A_223 = tpu.vector_load %arg8[%swap3A_221, %swap3A_222] {strides = array<i32>} : memref<400x128xf32, #tpu.memory_space<vmem>>, vector<1x16xf32>,
        %swap3A_224 = vector.shape_cast %swap3A_223 : vector<1x16xf32> to vector<16xf32>
        %swap3A_225 = vector.shape_cast %add3A_220 : vector<16xf32> to vector<1x16xf32>
        tpu.vector_store %arg8[%swap3A_221, %swap3A_222], %swap3A_225 {strides = array<i32>} : memref<400x128xf32, #tpu.memory_space<vmem>>, vector<1x16xf32>,
        %get3A_226 = arith.index_cast %scan3A_143 : i32 to index
        %get3A_227 = arith.constant 48 : index
        %get3A_228 = tpu.vector_load %arg10[%get3A_226, %get3A_227] {strides = array<i32>} : memref<200x64xf32, #tpu.memory_space<vmem>>, vector<1x16xf32>,
        %get3A_229 = vector.shape_cast %get3A_228 : vector<1x16xf32> to vector<16xf32>
        %add3A_230 = arith.constant 0 : i32
        %add3A_231 = arith.addi %add3A_230, %scan3A_143 : i32
        %get3A_232 = arith.index_cast %add3A_231 : i32 to index
        %get3A_233 = arith.constant 48 : index
        %get3A_234 = tpu.vector_load %arg8[%get3A_232, %get3A_233] {strides = array<i32>} : memref<400x128xf32, #tpu.memory_space<vmem>>, vector<1x16xf32>,
        %get3A_235 = vector.shape_cast %get3A_234 : vector<1x16xf32> to vector<16xf32>
        %add3A_236 = arith.addf %get3A_235, %get3A_229 : vector<16xf32>
        %swap3A_237 = arith.index_cast %add3A_231 : i32 to index
        %swap3A_238 = arith.constant 48 : index
        %swap3A_239 = tpu.vector_load %arg8[%swap3A_237, %swap3A_238] {strides = array<i32>} : memref<400x128xf32, #tpu.memory_space<vmem>>, vector<1x16xf32>,
        %swap3A_240 = vector.shape_cast %swap3A_239 : vector<1x16xf32> to vector<16xf32>
        %swap3A_241 = vector.shape_cast %add3A_236 : vector<16xf32> to vector<1x16xf32>
        tpu.vector_store %arg8[%swap3A_237, %swap3A_238], %swap3A_241 {strides = array<i32>} : memref<400x128xf32, #tpu.memory_space<vmem>>, vector<1x16xf32>,
        %add3A_242 = arith.constant 200 : i32
        %add3A_243 = arith.addi %add3A_242, %scan3A_143 : i32
        %get3A_244 = arith.index_cast %add3A_243 : i32 to index
        %get3A_245 = arith.constant 48 : index
        %get3A_246 = tpu.vector_load %arg8[%get3A_244, %get3A_245] {strides = array<i32>} : memref<400x128xf32, #tpu.memory_space<vmem>>, vector<1x16xf32>,
        %get3A_247 = vector.shape_cast %get3A_246 : vector<1x16xf32> to vector<16xf32>
        %add3A_248 = arith.addf %get3A_247, %get3A_229 : vector<16xf32>
        %swap3A_249 = arith.index_cast %add3A_243 : i32 to index
        %swap3A_250 = arith.constant 48 : index
        %swap3A_251 = tpu.vector_load %arg8[%swap3A_249, %swap3A_250] {strides = array<i32>} : memref<400x128xf32, #tpu.memory_space<vmem>>, vector<1x16xf32>,
        %swap3A_252 = vector.shape_cast %swap3A_251 : vector<1x16xf32> to vector<16xf32>
        %swap3A_253 = vector.shape_cast %add3A_248 : vector<16xf32> to vector<1x16xf32>
        tpu.vector_store %arg8[%swap3A_249, %swap3A_250], %swap3A_253 {strides = array<i32>} : memref<400x128xf32, #tpu.memory_space<vmem>>, vector<1x16xf32>,
      }
      %scan3A_117 = arith.constant 200 : i32
      %dma_start3A_118 = arith.constant 0 : i32
      %dma_start3A_119 = tpu.memref_slice %arg5[%add3A_62, %dma_start3A_118] : memref<819200x128xf32, #tpu.memory_space<hbm>> -> memref<400x128xf32, #tpu.memory_space<hbm>>
      %dma_start3A_120 = arith.constant 0 : i32
      %dma_start3A_121 = tpu.memref_slice %arg5[%add3A_62, %dma_start3A_120] : memref<819200x128xf32, #tpu.memory_space<hbm>> -> memref<400x128xf32, #tpu.memory_space<hbm>>
      tpu.enqueue_dma source(%arg8 : memref<400x128xf32, #tpu.memory_space<vmem>>) target(%dma_start3A_121 : memref<400x128xf32, #tpu.memory_space<hbm>>) target_semaphore(%arg13 : memref<!tpu.dma_semaphore, #tpu.memory_space<semaphore_mem>>)
      %add3A_122 = arith.constant 1 : i32
      %add3A_123 = arith.addi %scan3A_57, %add3A_122 : i32
      %lt3A = arith.constant 32 : i32
      %lt3A_124 = arith.cmpi slt, %add3A_123, %lt3A : i32
      %convert_element_type3A_125 = arith.extui %lt3A_124 : i1 to i32
      %cond3A_126 = arith.constant 0 : i32
      %cond3A_127 = arith.cmpi ne, %convert_element_type3A_125, %cond3A_126 : i32
      scf.if %cond3A_127 {
        %add3A_143 = arith.constant 400 : i32
        %add3A_144 = arith.addi %add3A_64, %add3A_143 : i32
        "tpu.region"() ({
          %run_scoped3A = tpu.sem_alloc : memref<!tpu.dma_semaphore, #tpu.memory_space<semaphore_mem>>
          %dma_start3A_191 = tpu.memref_slice %arg2[%add3A_144] : memref<819200xi32, #tpu.memory_space<hbm>> -> memref<400xi32, #tpu.memory_space<hbm>>
          %dma_start3A_192 = tpu.memref_slice %arg2[%add3A_144] : memref<819200xi32, #tpu.memory_space<hbm>> -> memref<400xi32, #tpu.memory_space<hbm>>
          tpu.enqueue_dma source(%dma_start3A_192 : memref<400xi32, #tpu.memory_space<hbm>>) target(%arg6 : memref<400xi32, #tpu.memory_space<vmem>>) target_semaphore(%run_scoped3A : memref<!tpu.dma_semaphore, #tpu.memory_space<semaphore_mem>>)
          %dma_wait3A_193 = tpu.memref_slice %arg2[%add3A_144] : memref<819200xi32, #tpu.memory_space<hbm>> -> memref<400xi32, #tpu.memory_space<hbm>>
          %dma_wait3A_194 = tpu.memref_slice %arg2[%add3A_144] : memref<819200xi32, #tpu.memory_space<hbm>> -> memref<400xi32, #tpu.memory_space<hbm>>
          tpu.wait_dma2 semaphore(%run_scoped3A : memref<!tpu.dma_semaphore, #tpu.memory_space<semaphore_mem>>) src(%dma_wait3A_194 : memref<400xi32, #tpu.memory_space<hbm>>) dst(%arg6 : memref<400xi32, #tpu.memory_space<vmem>>)
          tpu.yield
        }) : () -> ()
        %dma_wait3A_145 = arith.constant 0 : i32
        %dma_wait3A_146 = arith.constant 0 : i32
        %dma_wait3A_147 = tpu.memref_slice %arg5[%dma_wait3A_145, %dma_wait3A_146] : memref<819200x128xf32, #tpu.memory_space<hbm>> -> memref<400x128xf32, #tpu.memory_space<hbm>>
        %dma_wait3A_148 = arith.constant 0 : i32
        %dma_wait3A_149 = arith.constant 0 : i32
        %dma_wait3A_150 = tpu.memref_slice %arg5[%dma_wait3A_148, %dma_wait3A_149] : memref<819200x128xf32, #tpu.memory_space<hbm>> -> memref<400x128xf32, #tpu.memory_space<hbm>>
        tpu.wait_dma2 semaphore(%arg13 : memref<!tpu.dma_semaphore, #tpu.memory_space<semaphore_mem>>) src(%dma_wait3A_150 : memref<400x128xf32, #tpu.memory_space<hbm>>) dst(%arg8 : memref<400x128xf32, #tpu.memory_space<vmem>>)
        %dma_start3A_151 = arith.constant 0 : i32
        %dma_start3A_152 = arith.constant 0 : i32
        %dma_start3A_153 = tpu.memref_slice %arg8[%dma_start3A_151, %dma_start3A_152] : memref<400x128xf32, #tpu.memory_space<vmem>> -> memref<80x128xf32, #tpu.memory_space<vmem>>
        %dma_start3A_154 = arith.constant 0 : i32
        %dma_start3A_155 = tpu.memref_slice %arg6[%dma_start3A_154] : memref<400xi32, #tpu.memory_space<vmem>> -> memref<80xi32, #tpu.memory_space<vmem>>
        %dma_start3A_156 = arith.constant 0 : i32
        %dma_start3A_157 = arith.constant 0 : i32
        %dma_start3A_158 = tpu.memref_slice %arg3[%dma_start3A_156, %dma_start3A_157] : memref<100000x128xf32, #tpu.memory_space<hbm>> -> memref<100000x128xf32, #tpu.memory_space<hbm>>
        tpu.enqueue_indirect_dma source(%dma_start3A_158 : memref<100000x128xf32, #tpu.memory_space<hbm>>) target(%dma_start3A_153 : memref<80x128xf32, #tpu.memory_space<vmem>>) offsets(%dma_start3A_155 : memref<80xi32, #tpu.memory_space<vmem>>) semaphore(%arg11 : memref<!tpu.dma_semaphore, #tpu.memory_space<semaphore_mem>>)
        %dma_start3A_159 = arith.constant 80 : i32
        %dma_start3A_160 = arith.constant 0 : i32
        %dma_start3A_161 = tpu.memref_slice %arg8[%dma_start3A_159, %dma_start3A_160] : memref<400x128xf32, #tpu.memory_space<vmem>> -> memref<80x128xf32, #tpu.memory_space<vmem>>
        %dma_start3A_162 = arith.constant 80 : i32
        %dma_start3A_163 = tpu.memref_slice %arg6[%dma_start3A_162] : memref<400xi32, #tpu.memory_space<vmem>> -> memref<80xi32, #tpu.memory_space<vmem>>
        %dma_start3A_164 = arith.constant 0 : i32
        %dma_start3A_165 = arith.constant 0 : i32
        %dma_start3A_166 = tpu.memref_slice %arg3[%dma_start3A_164, %dma_start3A_165] : memref<100000x128xf32, #tpu.memory_space<hbm>> -> memref<100000x128xf32, #tpu.memory_space<hbm>>
        tpu.enqueue_indirect_dma source(%dma_start3A_166 : memref<100000x128xf32, #tpu.memory_space<hbm>>) target(%dma_start3A_161 : memref<80x128xf32, #tpu.memory_space<vmem>>) offsets(%dma_start3A_163 : memref<80xi32, #tpu.memory_space<vmem>>) semaphore(%arg11 : memref<!tpu.dma_semaphore, #tpu.memory_space<semaphore_mem>>)
        %dma_start3A_167 = arith.constant 160 : i32
        %dma_start3A_168 = arith.constant 0 : i32
        %dma_start3A_169 = tpu.memref_slice %arg8[%dma_start3A_167, %dma_start3A_168] : memref<400x128xf32, #tpu.memory_space<vmem>> -> memref<80x128xf32, #tpu.memory_space<vmem>>
        %dma_start3A_170 = arith.constant 160 : i32
        %dma_start3A_171 = tpu.memref_slice %arg6[%dma_start3A_170] : memref<400xi32, #tpu.memory_space<vmem>> -> memref<80xi32, #tpu.memory_space<vmem>>
        %dma_start3A_172 = arith.constant 0 : i32
        %dma_start3A_173 = arith.constant 0 : i32
        %dma_start3A_174 = tpu.memref_slice %arg3[%dma_start3A_172, %dma_start3A_173] : memref<100000x128xf32, #tpu.memory_space<hbm>> -> memref<100000x128xf32, #tpu.memory_space<hbm>>
        tpu.enqueue_indirect_dma source(%dma_start3A_174 : memref<100000x128xf32, #tpu.memory_space<hbm>>) target(%dma_start3A_169 : memref<80x128xf32, #tpu.memory_space<vmem>>) offsets(%dma_start3A_171 : memref<80xi32, #tpu.memory_space<vmem>>) semaphore(%arg11 : memref<!tpu.dma_semaphore, #tpu.memory_space<semaphore_mem>>)
        %dma_start3A_175 = arith.constant 240 : i32
        %dma_start3A_176 = arith.constant 0 : i32
        %dma_start3A_177 = tpu.memref_slice %arg8[%dma_start3A_175, %dma_start3A_176] : memref<400x128xf32, #tpu.memory_space<vmem>> -> memref<80x128xf32, #tpu.memory_space<vmem>>
        %dma_start3A_178 = arith.constant 240 : i32
        %dma_start3A_179 = tpu.memref_slice %arg6[%dma_start3A_178] : memref<400xi32, #tpu.memory_space<vmem>> -> memref<80xi32, #tpu.memory_space<vmem>>
        %dma_start3A_180 = arith.constant 0 : i32
        %dma_start3A_181 = arith.constant 0 : i32
        %dma_start3A_182 = tpu.memref_slice %arg3[%dma_start3A_180, %dma_start3A_181] : memref<100000x128xf32, #tpu.memory_space<hbm>> -> memref<100000x128xf32, #tpu.memory_space<hbm>>
        tpu.enqueue_indirect_dma source(%dma_start3A_182 : memref<100000x128xf32, #tpu.memory_space<hbm>>) target(%dma_start3A_177 : memref<80x128xf32, #tpu.memory_space<vmem>>) offsets(%dma_start3A_179 : memref<80xi32, #tpu.memory_space<vmem>>) semaphore(%arg11 : memref<!tpu.dma_semaphore, #tpu.memory_space<semaphore_mem>>)
        %dma_start3A_183 = arith.constant 320 : i32
        %dma_start3A_184 = arith.constant 0 : i32
        %dma_start3A_185 = tpu.memref_slice %arg8[%dma_start3A_183, %dma_start3A_184] : memref<400x128xf32, #tpu.memory_space<vmem>> -> memref<80x128xf32, #tpu.memory_space<vmem>>
        %dma_start3A_186 = arith.constant 320 : i32
        %dma_start3A_187 = tpu.memref_slice %arg6[%dma_start3A_186] : memref<400xi32, #tpu.memory_space<vmem>> -> memref<80xi32, #tpu.memory_space<vmem>>
        %dma_start3A_188 = arith.constant 0 : i32
        %dma_start3A_189 = arith.constant 0 : i32
        %dma_start3A_190 = tpu.memref_slice %arg3[%dma_start3A_188, %dma_start3A_189] : memref<100000x128xf32, #tpu.memory_space<hbm>> -> memref<100000x128xf32, #tpu.memory_space<hbm>>
        tpu.enqueue_indirect_dma source(%dma_start3A_190 : memref<100000x128xf32, #tpu.memory_space<hbm>>) target(%dma_start3A_185 : memref<80x128xf32, #tpu.memory_space<vmem>>) offsets(%dma_start3A_187 : memref<80xi32, #tpu.memory_space<vmem>>) semaphore(%arg11 : memref<!tpu.dma_semaphore, #tpu.memory_space<semaphore_mem>>)
      } else {
      }
      %dma_wait3A_128 = arith.constant 0 : i32
      %dma_wait3A_129 = arith.constant 0 : i32
      %dma_wait3A_130 = tpu.memref_slice %arg5[%dma_wait3A_128, %dma_wait3A_129] : memref<819200x128xf32, #tpu.memory_space<hbm>> -> memref<400x128xf32, #tpu.memory_space<hbm>>
      %dma_wait3A_131 = arith.constant 0 : i32
      %dma_wait3A_132 = arith.constant 0 : i32
      %dma_wait3A_133 = tpu.memref_slice %arg5[%dma_wait3A_131, %dma_wait3A_132] : memref<819200x128xf32, #tpu.memory_space<hbm>> -> memref<400x128xf32, #tpu.memory_space<hbm>>
      tpu.wait_dma2 semaphore(%arg12 : memref<!tpu.dma_semaphore, #tpu.memory_space<semaphore_mem>>) src(%dma_wait3A_133 : memref<400x128xf32, #tpu.memory_space<hbm>>) dst(%arg9 : memref<400x128xf32, #tpu.memory_space<vmem>>)
      %scan3A_134 = arith.constant 0 : i32
      %scan3A_135 = arith.constant 200 : i32
      %scan3A_136 = arith.addi %scan3A_134, %scan3A_135 : i32
      %scan3A_137 = arith.constant 1 : i32
      scf.for %scan3A_143 = %scan3A_134 to %scan3A_136 step %scan3A_137  : i32 {
        %get3A = arith.index_cast %scan3A_143 : i32 to index
        %get3A_144 = arith.constant 0 : index
        %get3A_145 = tpu.vector_load %arg10[%get3A, %get3A_144] {strides = array<i32>} : memref<200x64xf32, #tpu.memory_space<vmem>>, vector<1x16xf32>,
        %get3A_146 = vector.shape_cast %get3A_145 : vector<1x16xf32> to vector<16xf32>
        %add3A_147 = arith.constant 0 : i32
        %add3A_148 = arith.addi %add3A_147, %scan3A_143 : i32
        %get3A_149 = arith.index_cast %add3A_148 : i32 to index
        %get3A_150 = arith.constant 0 : index
        %get3A_151 = tpu.vector_load %arg9[%get3A_149, %get3A_150] {strides = array<i32>} : memref<400x128xf32, #tpu.memory_space<vmem>>, vector<1x16xf32>,
        %get3A_152 = vector.shape_cast %get3A_151 : vector<1x16xf32> to vector<16xf32>
        %add3A_153 = arith.addf %get3A_152, %get3A_146 : vector<16xf32>
        %swap3A = arith.index_cast %add3A_148 : i32 to index
        %swap3A_154 = arith.constant 0 : index
        %swap3A_155 = tpu.vector_load %arg9[%swap3A, %swap3A_154] {strides = array<i32>} : memref<400x128xf32, #tpu.memory_space<vmem>>, vector<1x16xf32>,
        %swap3A_156 = vector.shape_cast %swap3A_155 : vector<1x16xf32> to vector<16xf32>
        %swap3A_157 = vector.shape_cast %add3A_153 : vector<16xf32> to vector<1x16xf32>
        tpu.vector_store %arg9[%swap3A, %swap3A_154], %swap3A_157 {strides = array<i32>} : memref<400x128xf32, #tpu.memory_space<vmem>>, vector<1x16xf32>,
        %add3A_158 = arith.constant 200 : i32
        %add3A_159 = arith.addi %add3A_158, %scan3A_143 : i32
        %get3A_160 = arith.index_cast %add3A_159 : i32 to index
        %get3A_161 = arith.constant 0 : index
        %get3A_162 = tpu.vector_load %arg9[%get3A_160, %get3A_161] {strides = array<i32>} : memref<400x128xf32, #tpu.memory_space<vmem>>, vector<1x16xf32>,
        %get3A_163 = vector.shape_cast %get3A_162 : vector<1x16xf32> to vector<16xf32>
        %add3A_164 = arith.addf %get3A_163, %get3A_146 : vector<16xf32>
        %swap3A_165 = arith.index_cast %add3A_159 : i32 to index
        %swap3A_166 = arith.constant 0 : index
        %swap3A_167 = tpu.vector_load %arg9[%swap3A_165, %swap3A_166] {strides = array<i32>} : memref<400x128xf32, #tpu.memory_space<vmem>>, vector<1x16xf32>,
        %swap3A_168 = vector.shape_cast %swap3A_167 : vector<1x16xf32> to vector<16xf32>
        %swap3A_169 = vector.shape_cast %add3A_164 : vector<16xf32> to vector<1x16xf32>
        tpu.vector_store %arg9[%swap3A_165, %swap3A_166], %swap3A_169 {strides = array<i32>} : memref<400x128xf32, #tpu.memory_space<vmem>>, vector<1x16xf32>,
        %get3A_170 = arith.index_cast %scan3A_143 : i32 to index
        %get3A_171 = arith.constant 16 : index
        %get3A_172 = tpu.vector_load %arg10[%get3A_170, %get3A_171] {strides = array<i32>} : memref<200x64xf32, #tpu.memory_space<vmem>>, vector<1x16xf32>,
        %get3A_173 = vector.shape_cast %get3A_172 : vector<1x16xf32> to vector<16xf32>
        %add3A_174 = arith.constant 0 : i32
        %add3A_175 = arith.addi %add3A_174, %scan3A_143 : i32
        %get3A_176 = arith.index_cast %add3A_175 : i32 to index
        %get3A_177 = arith.constant 16 : index
        %get3A_178 = tpu.vector_load %arg9[%get3A_176, %get3A_177] {strides = array<i32>} : memref<400x128xf32, #tpu.memory_space<vmem>>, vector<1x16xf32>,
        %get3A_179 = vector.shape_cast %get3A_178 : vector<1x16xf32> to vector<16xf32>
        %add3A_180 = arith.addf %get3A_179, %get3A_173 : vector<16xf32>
        %swap3A_181 = arith.index_cast %add3A_175 : i32 to index
        %swap3A_182 = arith.constant 16 : index
        %swap3A_183 = tpu.vector_load %arg9[%swap3A_181, %swap3A_182] {strides = array<i32>} : memref<400x128xf32, #tpu.memory_space<vmem>>, vector<1x16xf32>,
        %swap3A_184 = vector.shape_cast %swap3A_183 : vector<1x16xf32> to vector<16xf32>
        %swap3A_185 = vector.shape_cast %add3A_180 : vector<16xf32> to vector<1x16xf32>
        tpu.vector_store %arg9[%swap3A_181, %swap3A_182], %swap3A_185 {strides = array<i32>} : memref<400x128xf32, #tpu.memory_space<vmem>>, vector<1x16xf32>,
        %add3A_186 = arith.constant 200 : i32
        %add3A_187 = arith.addi %add3A_186, %scan3A_143 : i32
        %get3A_188 = arith.index_cast %add3A_187 : i32 to index
        %get3A_189 = arith.constant 16 : index
        %get3A_190 = tpu.vector_load %arg9[%get3A_188, %get3A_189] {strides = array<i32>} : memref<400x128xf32, #tpu.memory_space<vmem>>, vector<1x16xf32>,
        %get3A_191 = vector.shape_cast %get3A_190 : vector<1x16xf32> to vector<16xf32>
        %add3A_192 = arith.addf %get3A_191, %get3A_173 : vector<16xf32>
        %swap3A_193 = arith.index_cast %add3A_187 : i32 to index
        %swap3A_194 = arith.constant 16 : index
        %swap3A_195 = tpu.vector_load %arg9[%swap3A_193, %swap3A_194] {strides = array<i32>} : memref<400x128xf32, #tpu.memory_space<vmem>>, vector<1x16xf32>,
        %swap3A_196 = vector.shape_cast %swap3A_195 : vector<1x16xf32> to vector<16xf32>
        %swap3A_197 = vector.shape_cast %add3A_192 : vector<16xf32> to vector<1x16xf32>
        tpu.vector_store %arg9[%swap3A_193, %swap3A_194], %swap3A_197 {strides = array<i32>} : memref<400x128xf32, #tpu.memory_space<vmem>>, vector<1x16xf32>,
        %get3A_198 = arith.index_cast %scan3A_143 : i32 to index
        %get3A_199 = arith.constant 32 : index
        %get3A_200 = tpu.vector_load %arg10[%get3A_198, %get3A_199] {strides = array<i32>} : memref<200x64xf32, #tpu.memory_space<vmem>>, vector<1x16xf32>,
        %get3A_201 = vector.shape_cast %get3A_200 : vector<1x16xf32> to vector<16xf32>
        %add3A_202 = arith.constant 0 : i32
        %add3A_203 = arith.addi %add3A_202, %scan3A_143 : i32
        %get3A_204 = arith.index_cast %add3A_203 : i32 to index
        %get3A_205 = arith.constant 32 : index
        %get3A_206 = tpu.vector_load %arg9[%get3A_204, %get3A_205] {strides = array<i32>} : memref<400x128xf32, #tpu.memory_space<vmem>>, vector<1x16xf32>,
        %get3A_207 = vector.shape_cast %get3A_206 : vector<1x16xf32> to vector<16xf32>
        %add3A_208 = arith.addf %get3A_207, %get3A_201 : vector<16xf32>
        %swap3A_209 = arith.index_cast %add3A_203 : i32 to index
        %swap3A_210 = arith.constant 32 : index
        %swap3A_211 = tpu.vector_load %arg9[%swap3A_209, %swap3A_210] {strides = array<i32>} : memref<400x128xf32, #tpu.memory_space<vmem>>, vector<1x16xf32>,
        %swap3A_212 = vector.shape_cast %swap3A_211 : vector<1x16xf32> to vector<16xf32>
        %swap3A_213 = vector.shape_cast %add3A_208 : vector<16xf32> to vector<1x16xf32>
        tpu.vector_store %arg9[%swap3A_209, %swap3A_210], %swap3A_213 {strides = array<i32>} : memref<400x128xf32, #tpu.memory_space<vmem>>, vector<1x16xf32>,
        %add3A_214 = arith.constant 200 : i32
        %add3A_215 = arith.addi %add3A_214, %scan3A_143 : i32
        %get3A_216 = arith.index_cast %add3A_215 : i32 to index
        %get3A_217 = arith.constant 32 : index
        %get3A_218 = tpu.vector_load %arg9[%get3A_216, %get3A_217] {strides = array<i32>} : memref<400x128xf32, #tpu.memory_space<vmem>>, vector<1x16xf32>,
        %get3A_219 = vector.shape_cast %get3A_218 : vector<1x16xf32> to vector<16xf32>
        %add3A_220 = arith.addf %get3A_219, %get3A_201 : vector<16xf32>
        %swap3A_221 = arith.index_cast %add3A_215 : i32 to index
        %swap3A_222 = arith.constant 32 : index
        %swap3A_223 = tpu.vector_load %arg9[%swap3A_221, %swap3A_222] {strides = array<i32>} : memref<400x128xf32, #tpu.memory_space<vmem>>, vector<1x16xf32>,
        %swap3A_224 = vector.shape_cast %swap3A_223 : vector<1x16xf32> to vector<16xf32>
        %swap3A_225 = vector.shape_cast %add3A_220 : vector<16xf32> to vector<1x16xf32>
        tpu.vector_store %arg9[%swap3A_221, %swap3A_222], %swap3A_225 {strides = array<i32>} : memref<400x128xf32, #tpu.memory_space<vmem>>, vector<1x16xf32>,
        %get3A_226 = arith.index_cast %scan3A_143 : i32 to index
        %get3A_227 = arith.constant 48 : index
        %get3A_228 = tpu.vector_load %arg10[%get3A_226, %get3A_227] {strides = array<i32>} : memref<200x64xf32, #tpu.memory_space<vmem>>, vector<1x16xf32>,
        %get3A_229 = vector.shape_cast %get3A_228 : vector<1x16xf32> to vector<16xf32>
        %add3A_230 = arith.constant 0 : i32
        %add3A_231 = arith.addi %add3A_230, %scan3A_143 : i32
        %get3A_232 = arith.index_cast %add3A_231 : i32 to index
        %get3A_233 = arith.constant 48 : index
        %get3A_234 = tpu.vector_load %arg9[%get3A_232, %get3A_233] {strides = array<i32>} : memref<400x128xf32, #tpu.memory_space<vmem>>, vector<1x16xf32>,
        %get3A_235 = vector.shape_cast %get3A_234 : vector<1x16xf32> to vector<16xf32>
        %add3A_236 = arith.addf %get3A_235, %get3A_229 : vector<16xf32>
        %swap3A_237 = arith.index_cast %add3A_231 : i32 to index
        %swap3A_238 = arith.constant 48 : index
        %swap3A_239 = tpu.vector_load %arg9[%swap3A_237, %swap3A_238] {strides = array<i32>} : memref<400x128xf32, #tpu.memory_space<vmem>>, vector<1x16xf32>,
        %swap3A_240 = vector.shape_cast %swap3A_239 : vector<1x16xf32> to vector<16xf32>
        %swap3A_241 = vector.shape_cast %add3A_236 : vector<16xf32> to vector<1x16xf32>
        tpu.vector_store %arg9[%swap3A_237, %swap3A_238], %swap3A_241 {strides = array<i32>} : memref<400x128xf32, #tpu.memory_space<vmem>>, vector<1x16xf32>,
        %add3A_242 = arith.constant 200 : i32
        %add3A_243 = arith.addi %add3A_242, %scan3A_143 : i32
        %get3A_244 = arith.index_cast %add3A_243 : i32 to index
        %get3A_245 = arith.constant 48 : index
        %get3A_246 = tpu.vector_load %arg9[%get3A_244, %get3A_245] {strides = array<i32>} : memref<400x128xf32, #tpu.memory_space<vmem>>, vector<1x16xf32>,
        %get3A_247 = vector.shape_cast %get3A_246 : vector<1x16xf32> to vector<16xf32>
        %add3A_248 = arith.addf %get3A_247, %get3A_229 : vector<16xf32>
        %swap3A_249 = arith.index_cast %add3A_243 : i32 to index
        %swap3A_250 = arith.constant 48 : index
        %swap3A_251 = tpu.vector_load %arg9[%swap3A_249, %swap3A_250] {strides = array<i32>} : memref<400x128xf32, #tpu.memory_space<vmem>>, vector<1x16xf32>,
        %swap3A_252 = vector.shape_cast %swap3A_251 : vector<1x16xf32> to vector<16xf32>
        %swap3A_253 = vector.shape_cast %add3A_248 : vector<16xf32> to vector<1x16xf32>
        tpu.vector_store %arg9[%swap3A_249, %swap3A_250], %swap3A_253 {strides = array<i32>} : memref<400x128xf32, #tpu.memory_space<vmem>>, vector<1x16xf32>,
      }
      %scan3A_138 = arith.constant 200 : i32
      %dma_start3A_139 = arith.constant 0 : i32
      %dma_start3A_140 = tpu.memref_slice %arg5[%add3A_64, %dma_start3A_139] : memref<819200x128xf32, #tpu.memory_space<hbm>> -> memref<400x128xf32, #tpu.memory_space<hbm>>
      %dma_start3A_141 = arith.constant 0 : i32
      %dma_start3A_142 = tpu.memref_slice %arg5[%add3A_64, %dma_start3A_141] : memref<819200x128xf32, #tpu.memory_space<hbm>> -> memref<400x128xf32, #tpu.memory_space<hbm>>
      tpu.enqueue_dma source(%arg9 : memref<400x128xf32, #tpu.memory_space<vmem>>) target(%dma_start3A_142 : memref<400x128xf32, #tpu.memory_space<hbm>>) target_semaphore(%arg14 : memref<!tpu.dma_semaphore, #tpu.memory_space<semaphore_mem>>)
    }
    %scan3A_45 = arith.constant 32 : i32
    %dma_wait3A = arith.constant 0 : i32
    %dma_wait3A_46 = arith.constant 0 : i32
    %dma_wait3A_47 = tpu.memref_slice %arg5[%dma_wait3A, %dma_wait3A_46] : memref<819200x128xf32, #tpu.memory_space<hbm>> -> memref<400x128xf32, #tpu.memory_space<hbm>>
    %dma_wait3A_48 = arith.constant 0 : i32
    %dma_wait3A_49 = arith.constant 0 : i32
    %dma_wait3A_50 = tpu.memref_slice %arg5[%dma_wait3A_48, %dma_wait3A_49] : memref<819200x128xf32, #tpu.memory_space<hbm>> -> memref<400x128xf32, #tpu.memory_space<hbm>>
    tpu.wait_dma2 semaphore(%arg13 : memref<!tpu.dma_semaphore, #tpu.memory_space<semaphore_mem>>) src(%dma_wait3A_50 : memref<400x128xf32, #tpu.memory_space<hbm>>) dst(%arg8 : memref<400x128xf32, #tpu.memory_space<vmem>>)
    %dma_wait3A_51 = arith.constant 0 : i32
    %dma_wait3A_52 = arith.constant 0 : i32
    %dma_wait3A_53 = tpu.memref_slice %arg5[%dma_wait3A_51, %dma_wait3A_52] : memref<819200x128xf32, #tpu.memory_space<hbm>> -> memref<400x128xf32, #tpu.memory_space<hbm>>
    %dma_wait3A_54 = arith.constant 0 : i32
    %dma_wait3A_55 = arith.constant 0 : i32
    %dma_wait3A_56 = tpu.memref_slice %arg5[%dma_wait3A_54, %dma_wait3A_55] : memref<819200x128xf32, #tpu.memory_space<hbm>> -> memref<400x128xf32, #tpu.memory_space<hbm>>
    tpu.wait_dma2 semaphore(%arg14 : memref<!tpu.dma_semaphore, #tpu.memory_space<semaphore_mem>>) src(%dma_wait3A_56 : memref<400x128xf32, #tpu.memory_space<hbm>>) dst(%arg9 : memref<400x128xf32, #tpu.memory_space<vmem>>)
    return
  }
}

</mosaic_0001>

<sc_bundles>
// kernel: kernel.3.cloned.1.call-start
scs
__scs_entry_jumppad:
0x0: {  	(pc) =	sbr.rel $0x88, $3  }
0x1: {  	(tag) =	ssettag $0x0;
	lr =	simm.s32 $0x1  }
0x2: {  	[smem:$0x3F9E] =	sst lr;
	_ =	strace $0xD0000000  }
0x3: {  	_ = 	snop  }
0x4: {  	_ = 	snop  }
0x5: {  	_ = 	snop  }
0x6: {  	_ = 	snop  }
0x7: {  	_ = 	snop  }
__scs_overlays_trampoline_lowered:
0x8: {  	[smem:$0x3FAD] =	sst s0  }
0x9: {  	[smem:$0x3FAE] =	sst s1  }
0xa: {  	[smem:$0x3FAF] =	sst s2  }
0xb: {  	[smem:$0x3FB0] =	sst s3  }
0xc: {  	[smem:$0x3FB1] =	sst s4  }
0xd: {  	[smem:$0x3FB2] =	sst s5  }
0xe: {  	[smem:$0x3FB3] =	sst s6  }
0xf: {  	[smem:$0x3FB4] =	sst s7  }
0x10: {  	[smem:$0x3FB5] =	sst s8  }
0x11: {  	[smem:$0x3FB6] =	sst s9;
	s0 =	simm.s32 @!p0 $0x0  }
0x12: {  	s1 =	sld [smem:$0x3F9C];
	s0 =	simm.s32 @p0 $0x1  }
0x13: {  	[smem:$0x3FB7] =	sst s0;
	s0 =	simm.s32 @!p1 $0x0  }
0x14: {  	s2 =	sld [smem:$0x3F9B];
	s0 =	simm.s32 @p1 $0x1  }
0x15: {  	[smem:$0x3FB8] =	sst s0;
	s0 =	simm.s32 @!p2 $0x0  }
0x16: {  	s3 =	sld [smem:$0x3FDB];
	s0 =	simm.s32 @p2 $0x1  }
0x17: {  	s4 =	simm.s32 $0x1BF5;
	[smem:$0x3FBA] =	sst s0  }
0x18: {  	s0 =	sld [smem:$0x3F9D];
	_ =	swait.ge [sflag:s4], $0x0  }
0x19: {  	s7 =	sld [smem:$0x3F9E]  }
0x1a: {  	s8 =	sadd.s32 $0xFFFFE003, lr  }
0x1b: {  	s9 =	sadd.s32 $0xFFFFFEF7, lr;
	s5 =	simm.s32 $0xFFFFFFFF;
	p2 =	slt.u32 s8, $0xFFFFF086  }
0x1c: {  	p1 =	slt.u32 s9, $0xF7A;
	s5 =	simm.s32 @!p2 $0x0  }
0x1d: {  	s5 =	simm.s32 @p1 $0x1;
	p0 =	seq.s32 s7, s2  }
0x1e: {  	s7 =	smul.u32 @!p0 $0xF7A, s2;
	p2 =	seq.s32 @!p0 s5, $0x0  }
0x1f: {  	s9 =	smul.u32 $0xF7A, s1;
	s8 =	simm.s32 @!p0 $0x1BF5;
	p2 =	por !p2, p0  }
0x20: {  	[sflag:s8] =	ssyncset.s32 @!p0 $0xFFFFF086;
	s6 =	sadd.s32 @!p0 s3, s7;
	s7 =	simm.s32 @!p0 $0x108  }
0x21: {  	s3 =	sadd.s32 s3, s9;
	s6 =	sadd.s32 @!p0 $0x88, s6;
	s7 =	simm.s32 @p2 $0x1082  }
0x22: {  	[simem:s7], [sflag:s8] =	dma.local @!p0 [hbm:s6], $0xF7A  }
0x23: {  	s9 =	sor.u32 $0xD0000000, s2;
	s6 =	simm.s32 $0x108;
	_ =	swait.ge @!p0 [sflag:s8], $0x0  }
0x24: {  	s3 =	sadd.s32 $0x88, s3;
	s6 =	simm.s32 @!p1 $0x1082;
	[sflag:s4] =	ssyncset.s32 $0xFFFFF086  }
0x25: {  	[simem:s6], [sflag:s4] =	dma.local [hbm:s3], $0xF7A  }
0x26: {  	[smem:$0x3F9E] =	sst s1;
	(tag) =	ssettag s2;
	_ =	strace s9  }
0x27: {  	s1 =	sld [smem:$0x3FAE]  }
0x28: {  	s2 =	sld [smem:$0x3FAF]  }
0x29: {  	s4 =	sld [smem:$0x3FB1]  }
0x2a: {  	p0 =	seq.s32 s5, $0x0;
	s5 =	sld [smem:$0x3FB2]  }
0x2b: {  	s6 =	sld [smem:$0x3FB3]  }
0x2c: {  	s7 =	sld [smem:$0x3FB4]  }
0x2d: {  	s3 =	simm.s32 $0x108;
	s8 =	sld [smem:$0x3FB5]  }
0x2e: {  	s3 =	simm.s32 @!p0 $0x1082;
	s9 =	sld [smem:$0x3FB6]  }
0x2f: {  	lr =	sadd.s32 s0, s3;
	s0 =	sld [smem:$0x3FAD]  }
0x30: {  	s3 =	sld [smem:$0x3FB0]  }
0x31: {  	[smem:$0x3FB9] =	sst s10  }
0x32: {  	s10 =	sld [smem:$0x3FB7];
	_ =	sdelay $0x3  }
0x33: {  	p0 =	seq.s32 s10, $0x1;
	s10 =	sld [smem:$0x3FB9];
	_ =	sdelay $0x3  }
0x34: {  	[smem:$0x3FB9] =	sst s10  }
0x35: {  	s10 =	sld [smem:$0x3FB8];
	_ =	sdelay $0x3  }
0x36: {  	p1 =	seq.s32 s10, $0x1;
	s10 =	sld [smem:$0x3FB9];
	_ =	sdelay $0x3  }
0x37: {  	[smem:$0x3FB9] =	sst s10  }
0x38: {  	s10 =	sld [smem:$0x3FBA]  }
0x39: {  	_ = 	snop;
	(pc) =	sbr.ind lr, $3  }
0x3a: {  	_ = 	snop  }
0x3b: {  	_ = 	snop  }
0x3c: {  	p2 =	seq.s32 s10, $0x1;
	s10 =	sld [smem:$0x3FB9]  }
0x3d: {  	_ =	shalt  }
0x3e: {  	_ =	shalt  }
0x3f: {  	_ =	shalt  }
0x40: {  	_ =	shalt  }
0x41: {  	_ =	shalt  }
0x42: {  	_ =	shalt  }
0x43: {  	_ =	shalt  }
0x44: {  	_ =	shalt  }
0x45: {  	_ =	shalt  }
0x46: {  	_ =	shalt  }
0x47: {  	_ =	shalt  }
0x48: {  	_ =	shalt  }
0x49: {  	_ =	shalt  }
0x4a: {  	_ =	shalt  }
0x4b: {  	_ =	shalt  }
0x4c: {  	_ =	shalt  }
0x4d: {  	_ =	shalt  }
0x4e: {  	_ =	shalt  }
0x4f: {  	_ =	shalt  }
0x50: {  	_ =	shalt  }
0x51: {  	_ =	shalt  }
0x52: {  	_ =	shalt  }
0x53: {  	_ =	shalt  }
0x54: {  	_ =	shalt  }
0x55: {  	_ =	shalt  }
0x56: {  	_ =	shalt  }
0x57: {  	_ =	shalt  }
0x58: {  	_ =	shalt  }
0x59: {  	_ =	shalt  }
0x5a: {  	_ =	shalt  }
0x5b: {  	_ =	shalt  }
0x5c: {  	_ =	shalt  }
0x5d: {  	_ =	shalt  }
0x5e: {  	_ =	shalt  }
0x5f: {  	_ =	shalt  }
0x60: {  	_ =	shalt  }
0x61: {  	_ =	shalt  }
0x62: {  	_ =	shalt  }
0x63: {  	_ =	shalt  }
0x64: {  	_ =	shalt  }
0x65: {  	_ =	shalt  }
0x66: {  	_ =	shalt  }
0x67: {  	_ =	shalt  }
0x68: {  	_ =	shalt  }
0x69: {  	_ =	shalt  }
0x6a: {  	_ =	shalt  }
0x6b: {  	_ =	shalt  }
0x6c: {  	_ =	shalt  }
0x6d: {  	_ =	shalt  }
0x6e: {  	_ =	shalt  }
0x6f: {  	_ =	shalt  }
0x70: {  	_ =	shalt  }
0x71: {  	_ =	shalt  }
0x72: {  	_ =	shalt  }
0x73: {  	_ =	shalt  }
0x74: {  	_ =	shalt  }
0x75: {  	_ =	shalt  }
0x76: {  	_ =	shalt  }
0x77: {  	_ =	shalt  }
0x78: {  	_ =	shalt  }
0x79: {  	_ =	shalt  }
0x7a: {  	_ =	shalt  }
0x7b: {  	_ =	shalt  }
0x7c: {  	_ =	shalt  }
0x7d: {  	_ =	shalt  }
0x7e: {  	_ =	shalt  }
0x7f: {  	_ =	shalt  }
0x80: {  	_ =	shalt  }
0x81: {  	_ =	shalt  }
0x82: {  	_ =	shalt  }
0x83: {  	_ =	shalt  }
0x84: {  	_ =	shalt  }
0x85: {  	_ =	shalt  }
0x86: {  	_ =	shalt  }
0x87: {  	_ =	shalt  }
.Lfunc_end0:
.L_simem_size_0:
called_computation.1_lowered:
.L_overlay_start_0:
0x88: {  	s2 =	sld [smem:$0x3FD9]  }
0x89: {  	s3 =	sld [smem:$0x3FFE];
	_ =	sdelay $0x1  }
0x8a: {  	s1 =	srdreg.scid  }
0x8b: {  	s0 =	sand.u32 $0x1, s1  }
0x8c: {  	s16 =	sshll.u32 s0, $0xA;
	s2 =	sadd.s32 s3, s2  }
0x8d: {  	s2 =	sadd.s32 s2, s16  }
0x8e: {  	[smem:$0x3FC5] =	sst s2  }
0x8f: {  	_ = 	snop  }
0x90: {  	(tm) =	ssettm $0x1  }
0x91: {  	s17 =	sld [smem:$0x3FFB];
	_ =	sdelay $0x3  }
0x92: {  	_ =	strace s17  }
0x93: {  	s2 =	sld [smem:$0x3FFC];
	_ =	sdelay $0x3  }
0x94: {  	_ =	strace s2  }
0x95: {  	s2 =	sld [smem:$0x3FFD];
	_ =	sdelay $0x3  }
0x96: {  	_ =	strace s2  }
0x97: {  	_ =	strace $0x8FFFFFFF  }
0x98: {  	s18 =	sld [smem:$0x3FDB];
	_ =	sdelay $0x1  }
0x99: {  	s19 =	simm.s32 $_scs_section_size  }
0x9a: {  	s4 =	simm.s32 $_size__tile_overlayer_lowered;
	s5 =	simm.s32 $_tile_overlayer_lowered  }
0x9b: {  	s22 =	simm.s32 $0x1BFF;
	s21 =	sshll.u32 s5, $0x1;
	s2 =	sadd.s32 s19, s18  }
0x9c: {  	s6 =	simm.s32 $0x0;
	s20 =	sshll.u32 s4, $0x1;
	s4 =	sadd.s32 s21, s2  }
0x9d: {  	[timem:s6], [sflag:s22] =	dma.local [hbm:s4], s20  }
0x9e: {  	_ =	swait.ge [sflag:s22], s20  }
0x9f: {  	s3 =	ssub.s32 $0x0, s20;
	[sflag:s22] =	ssyncset.done $0x0  }
0xa0: {  	[sflag:s22] =	ssyncadd.s32 s3;
	_ =	sdelay $0x1  }
0xa1: {  	s23 =	simm.s32 $0x1B8B  }
0xa2: {  	_ =	swait.ge [sflag:s23], $0x1  }
0xa3: {  	[sflag:s23] =	ssyncset.done $0x0  }
0xa4: {  	s25 =	simm.s32 $0x1B8E;
	s24 =	sld [smem:$0x3FFE];
	[sflag:s23] =	ssyncadd.s32 $0xFFFFFFFF  }
0xa5: {  	s26 =	simm.s32 $execute0_lowered;
	[smem:$0x3FD2] =	sst s25  }
0xa6: {  	s4 =	sshll.u32 s26, $0x1;
	_ =	strace $0x80000046;
	[dreg:$0x1] =	wrdreg $0xFFFFFFFF  }
0xa7: {  	s28 =	simm.s32 $_size_execute0_lowered;
	s2 =	sadd.s32 s2, s4;
	[dreg:$0x0] =	wrdreg $0x0  }
0xa8: {  	s4 =	sshll.u32 s28, $0x1;
	[dreg:$0x2] =	wrdreg s2  }
0xa9: {  	[dreg:$0x3] =	wrdreg s4  }
0xaa: {  	[dreg:$0x4] =	wrdreg $0xC0  }
0xab: {  	_ =	task [dreg:s6], $0x5FFFF  }
0xac: {  	[dreg:$0x1] =	wrdreg $0xFFFFFFFF  }
0xad: {  	[dreg:$0x0] =	wrdreg $0x60  }
0xae: {  	[dreg:$0x2] =	wrdreg s24  }
0xaf: {  	[dreg:$0x3] =	wrdreg $0x9  }
0xb0: {  	_ =	task.clear_ibuf [dreg:s6], $0x4FFFF;
	_ =	strace $0x90000046  }
0xb1: {  	s29 =	simm.s32 $0x9;
	_ =	strace $0x80000048  }
0xb2: {  	_ =	swait.ge [sflag:s29], $0x1  }
0xb3: {  	[sflag:s29] =	ssyncadd.s32 $0xFFFFFFFF  }
0xb4: {  	_ =	strace $0x90000048  }
0xb5: {  	_ =	sfence  }
0xb6: {  	s30 =	sld [smem:$0x0];
	_ =	sdelay $0x2  }
0xb7: {  	s31 =	sshll.u32 s1, $0xD;
	s1 =	sshrl.u32 s1, $0x2  }
0xb8: {  	s3 =	sand.u32 $0x4000, s31;
	s1 =	sadd.s32 s1, s30  }
0xb9: {  	s0 =	sor.u32 s3, s0;
	s1 =	sshll.u32 s1, $0x11  }
0xba: {  	s0 =	sor.u32 s1, s0  }
0xbb: {  	s0 =	sadd.s32 $0x8F2B, s0  }
0xbc: {  	[sflag:s0] =	ssyncadd.remote.s32 $0x1  }
0xbd: {  	_ =	sfence.sel $0xFFFF  }
0xbe: {  	[dreg:$0x0] =	wrdreg $0xFFFFFFFF;
	(pc) =	sbr.abs _section_cstart, $3  }
0xbf: {  	[dreg:$0x1] =	wrdreg $0xFFFFFFFF  }
0xc0: {  	_ =	task.clear_ibuf [dreg:s6], $0x2FFFF;
	_ =	strace $0x9FFFFFFF  }
0xc1: {  	(tm) =	ssettm $0x7FFFFFFF  }
tec
execute0_lowered:
.L_overlay_start_1:
0x0: {  	(tag) =	ssettag $0x1  }
0x1: {  	s0 =	rddreg [dreg:$0x0]  }
0x2: {  	s1 =	srdreg.scid;
	s3 =	stileid.u32;
	s2 =	simm.s32 $0x0  }
0x3: {  	s11 =	simm.s32 $0x5;
	s12 =	simm.s32 $0x50;
	s13 =	simm.s32 $0x320  }
0x4: {  	s21 =	simm.s32 $0x190;
	s22 =	simm.s32 $0xCB20;
	s23 =	simm.s32 $0x1E0  }
0x5: {  	s28 =	simm.s32 $0x280;
	s29 =	simm.s32 $0x14320;
	s30 =	simm.s32 $0x2D0  }
0x6: {  	s31 =	simm.s32 $0x16B20;
	s10 =	simm.s32 $0x3;
	s14 =	simm.s32 $0x4  }
0x7: {  	s15 =	simm.s32 $0x0;
	s1 =	sand.u32 $0x1, s1;
	s3 =	sshll.u32 s3, $0x1  }
0x8: {  	[smem:$0x7FF] =	sst s2;
	s4 =	sadd.s32 $0x1000, s0;
	s5 =	sadd.s32 $0x1A000, s0  }
0x9: {  	s6 =	sadd.s32 $0x800, s0;
	s7 =	sadd.s32 $0x1A0A00, s0;
	s3 =	sor.u32 s1, s3  }
0xa: {  	s0 =	simm.s32 $0x1;
	s1 =	ssub.s32 $0x2, s1;
	s3 =	smul.u32 $0x6400, s3  }
0xb: {  	_ =	strace $0x80000047;
	[dreg:$0x2] =	wrdreg s6;
	s24 =	sshrl.u32 s1, $0x1  }
0xc: {  	s25 =	ssub.s32 s1, s24;
	s24 =	simm.s32 $0xF320;
	s8 =	sshrl.u32 s3, $0x3  }
0xd: {  	s1 =	simm.s32 $0x2;
	s9 =	smax.u32 s25, $0x1;
	s26 =	sadd.s32 s4, s8  }
0xe: {  	s25 =	simm.s32 $0x230;
	[dreg:$0x3] =	wrdreg s26;
	s26 =	simm.s32 $0x11B20  }
.LBB2_1:
0xf: {  	s6 =	rddreg [dreg:$0x2];
	s8 =	simm.s32 $0x19320  }
0x10: {  	[tilespmem:s8], [sflag:$0x5] =	stream.linear.gather [hbm4b:s6+s2], $0x3200, $0x38;
	[tilespmem:$0x1C520] =	vst v63  }
0x11: {  	_ =	swait.ge [sflag:s11], $0x3200  }
0x12: {  	[sflag:s11] =	ssyncset.done $0x0  }
0x13: {  	s19 =	rddreg [dreg:$0x3];
	[sflag:s11] =	ssyncadd.s32 $0xFFFFCE00  }
0x14: {  	[tilespmem:s2], [sflag:$0x5] =	stream.linear.gather [hbm4b:s19+s2], $0x190, $0x38;
	[tilespmem:$0x1C520] =	vst v63  }
0x15: {  	_ =	swait.ge [sflag:s11], $0x190  }
0x16: {  	[sflag:s11] =	ssyncset.done $0x0  }
0x17: {  	[sflag:s11] =	ssyncadd.s32 $0xFFFFFE70  }
0x18: {  	[tilespmem:s13], [sflag:$0x1] =	stream.indirect.gather [hbm4b:s5+s12], $0x80, s2, s12, $0xb8;
	[tilespmem:$0x1C520] =	vst v63  }
0x19: {  	s20 =	simm.s32 $0x2B20  }
0x1a: {  	[tilespmem:s20], [sflag:$0x1] =	stream.indirect.gather [hbm4b:s5+s12], $0x80, s12, s12, $0xb8;
	[tilespmem:$0x1C520] =	vst v63  }
0x1b: {  	s16 =	simm.s32 $0x5320;
	s8 =	simm.s32 $0xA0  }
0x1c: {  	[tilespmem:s16], [sflag:$0x1] =	stream.indirect.gather [hbm4b:s5+s12], $0x80, s8, s12, $0xb8;
	[tilespmem:$0x1C520] =	vst v63  }
0x1d: {  	s17 =	simm.s32 $0xF0;
	s18 =	simm.s32 $0x7B20  }
0x1e: {  	[tilespmem:s18], [sflag:$0x1] =	stream.indirect.gather [hbm4b:s5+s12], $0x80, s17, s12, $0xb8;
	[tilespmem:$0x1C520] =	vst v63  }
0x1f: {  	s19 =	simm.s32 $0x140;
	s20 =	simm.s32 $0xA320;
	s17 =	simm.s32 $0x0  }
0x20: {  	[tilespmem:s20], [sflag:$0x1] =	stream.indirect.gather [hbm4b:s5+s12], $0x80, s19, s12, $0xb8;
	[tilespmem:$0x1C520] =	vst v63  }
.LBB2_2:
0x21: {  	s6 =	smul.u32 $0x320, s17;
	_ =	sdelay $0x1  }
0x22: {  	s18 =	sadd.s32 s3, s6  }
0x23: {  	s16 =	sadd.s32 $0x190, s18  }
0x24: {  	s20 =	sshrl.u32 s16, $0x3  }
0x25: {  	s6 =	sadd.s32 s4, s20  }
0x26: {  	[tilespmem:s21], [sflag:$0x5] =	stream.linear.gather [hbm4b:s6+s2], $0x190, $0x38;
	[tilespmem:$0x1C520] =	vst v63  }
0x27: {  	_ =	swait.ge [sflag:s11], $0x190  }
0x28: {  	p0 =	seq.s32 s17, $0x0;
	[sflag:s11] =	ssyncset.done $0x0  }
0x29: {  	s6 =	simm.s32 @!p0 $0x4;
	[sflag:s11] =	ssyncadd.s32 $0xFFFFFE70  }
0x2a: {  	_ =	swait.ge @!p0 [sflag:s6], $0xC800  }
0x2b: {  	[sflag:s6] =	ssyncset.done @!p0 $0x0  }
0x2c: {  	[sflag:s6] =	ssyncadd.s32 @!p0 $0xFFFF3800  }
0x2d: {  	[tilespmem:s22], [sflag:$0x2] =	stream.indirect.gather [hbm4b:s5+s12], $0x80, s21, s12, $0xb8;
	[tilespmem:$0x1C520] =	vst v63  }
0x2e: {  	_ = 	snop  }
0x2f: {  	[tilespmem:s24], [sflag:$0x2] =	stream.indirect.gather [hbm4b:s5+s12], $0x80, s23, s12, $0xb8;
	[tilespmem:$0x1C520] =	vst v63  }
0x30: {  	_ = 	snop  }
0x31: {  	[tilespmem:s26], [sflag:$0x2] =	stream.indirect.gather [hbm4b:s5+s12], $0x80, s25, s12, $0xb8;
	[tilespmem:$0x1C520] =	vst v63  }
0x32: {  	_ = 	snop  }
0x33: {  	[tilespmem:s29], [sflag:$0x2] =	stream.indirect.gather [hbm4b:s5+s12], $0x80, s28, s12, $0xb8;
	[tilespmem:$0x1C520] =	vst v63  }
0x34: {  	_ = 	snop  }
0x35: {  	[tilespmem:s31], [sflag:$0x2] =	stream.indirect.gather [hbm4b:s5+s12], $0x80, s30, s12, $0xb8;
	[tilespmem:$0x1C520] =	vst v63  }
0x36: {  	_ =	swait.ge [sflag:s0], $0xC800  }
0x37: {  	[sflag:s0] =	ssyncset.done $0x0  }
0x38: {  	s19 =	simm.s32 $0x0;
	[sflag:s0] =	ssyncadd.s32 $0xFFFF3800  }
0x39: {  	s20 =	simm.s32 $0x19340;
	v0 =	vld [tilespmem:s19+$0x320]  }
0x3a: {  	v1 =	vld [tilespmem:s20+$0xFFFFFFE0]  }
0x3b: {  	s6 =	simm.s32 $0x200;
	v2 =	vld [tilespmem:s19+$0x6720]  }
.LBB2_3:
0x3c: {  	p0 =	sne.s32 s6, $0x18E00;
	_ =	sdelay $0x2  }
0x3d: {  	v0 =	vadd.f32 v0, v1  }
0x3e: {  	v1 =	vadd.f32 v2, v1  }
0x3f: {  	[tilespmem:s19+$0x320] =	vst v0  }
0x40: {  	[tilespmem:s19+$0x6720] =	vst v1;
	v0 =	vld [tilespmem:s19+$0x330]  }
0x41: {  	v1 =	vld [tilespmem:s20+$0xFFFFFFF0]  }
0x42: {  	v2 =	vld [tilespmem:s19+$0x6730];
	_ =	sdelay $0x3  }
0x43: {  	v0 =	vadd.f32 v0, v1  }
0x44: {  	v1 =	vadd.f32 v2, v1  }
0x45: {  	[tilespmem:s19+$0x330] =	vst v0;
	v0 =	vld [tilespmem:s19+$0x6740]  }
0x46: {  	[tilespmem:s19+$0x6730] =	vst v1;
	v1 =	vld [tilespmem:s19+$0x340]  }
0x47: {  	v2 =	vld [tilespmem:s20+$0x0];
	_ =	sdelay $0x4  }
0x48: {  	v1 =	vadd.f32 v1, v2;
	v0 =	vadd.f32 v0, v2;
	_ =	sdelay $0x1  }
0x49: {  	[tilespmem:s19+$0x6740] =	vst v0;
	v0 =	vld [tilespmem:s19+$0x6750]  }
0x4a: {  	[tilespmem:s19+$0x340] =	vst v1;
	v1 =	vld [tilespmem:s19+$0x350]  }
0x4b: {  	v2 =	vld [tilespmem:s20+$0x10];
	_ =	sdelay $0x4  }
0x4c: {  	v1 =	vadd.f32 v1, v2;
	v2 =	vadd.f32 v0, v2  }
.Ltmp0:
0x4d: {  	(pc) =	sbr.rel @p0 .LBB2_3-.Ltmp0, $4  }
0x4e: {  	s8 =	sshra.s32 s6, $0x2;
	[tilespmem:s19+$0x350] =	vst v1  }
0x4f: {  	s20 =	sadd.s32 $0x40, s20;
	v0 =	vld [tilespmem:s8+$0x320];
	[tilespmem:s19+$0x6750] =	vst v2;
	s19 =	smov.u32 s8  }
0x50: {  	v1 =	vld [tilespmem:s20+$0xFFFFFFE0]  }
0x51: {  	s6 =	sadd.s32 $0x200, s6;
	v2 =	vld [tilespmem:s19+$0x6720]  }
0x52: {  	_ =	sdelay $0x2  }
0x53: {  	v0 =	vadd.f32 v0, v1  }
0x54: {  	v1 =	vadd.f32 v2, v1  }
0x55: {  	[tilespmem:s19+$0x320] =	vst v0  }
0x56: {  	v0 =	vld [tilespmem:s19+$0x330];
	[tilespmem:s19+$0x6720] =	vst v1  }
0x57: {  	v1 =	vld [tilespmem:s20+$0xFFFFFFF0]  }
0x58: {  	v2 =	vld [tilespmem:s19+$0x6730];
	_ =	sdelay $0x3  }
0x59: {  	v0 =	vadd.f32 v0, v1  }
0x5a: {  	v1 =	vadd.f32 v2, v1  }
0x5b: {  	[tilespmem:s19+$0x330] =	vst v0  }
0x5c: {  	v0 =	vld [tilespmem:s19+$0x6740];
	[tilespmem:s19+$0x6730] =	vst v1  }
0x5d: {  	v1 =	vld [tilespmem:s20+$0x0]  }
0x5e: {  	v2 =	vld [tilespmem:s19+$0x340];
	_ =	sdelay $0x3  }
0x5f: {  	v0 =	vadd.f32 v0, v1  }
0x60: {  	v1 =	vadd.f32 v2, v1  }
0x61: {  	[tilespmem:s19+$0x6740] =	vst v0  }
0x62: {  	[tilespmem:s19+$0x340] =	vst v1;
	v1 =	vld [tilespmem:s19+$0x350]  }
0x63: {  	v2 =	vld [tilespmem:s20+$0x10]  }
0x64: {  	v0 =	vld [tilespmem:s19+$0x6750];
	_ =	sdelay $0x3  }
0x65: {  	v1 =	vadd.f32 v1, v2  }
0x66: {  	v0 =	vadd.f32 v0, v2  }
0x67: {  	s6 =	sshll.u32 s18, $0x4;
	[tilespmem:s19+$0x350] =	vst v1  }
0x68: {  	p0 =	seq.s32 s17, $0x1F;
	s6 =	sadd.s32 s7, s6;
	[tilespmem:s19+$0x6750] =	vst v0  }
0x69: {  	[hbm4b:s6+s2] =	stream.linear.scatter [tilespmem:s13], [sflag:$0x3], $0xC800, $0x38;
	[tilespmem:$0x1C520] =	vst v63  }
0x6a: {  	s6 =	sshrl.u32 @!p0 s18, $0x3  }
0x6b: {  	s6 =	sadd.s32 @!p0 s4, s6  }
0x6c: {  	s8 =	simm.s32 @!p0 $0x0;
	s6 =	sadd.s32 @!p0 $0x64, s6  }
0x6d: {  	[tilespmem:s8], [sflag:$0x5] =	stream.linear.gather @!p0 [hbm4b:s6+s8], $0x190, $0x38;
	[tilespmem:$0x1C520] =	vst v63  }
0x6e: {  	s6 =	simm.s32 @!p0 $0x5  }
0x6f: {  	_ =	swait.ge @!p0 [sflag:s6], $0x190  }
0x70: {  	[sflag:s6] =	ssyncset.done @!p0 $0x0  }
0x71: {  	[sflag:s6] =	ssyncadd.s32 @!p0 $0xFFFFFE70;
	s6 =	simm.s32 @!p0 $0x3  }
0x72: {  	_ =	swait.ge @!p0 [sflag:s6], $0xC800  }
0x73: {  	[sflag:s6] =	ssyncset.done @!p0 $0x0  }
0x74: {  	s18 =	simm.s32 @!p0 $0x320;
	[sflag:s6] =	ssyncadd.s32 @!p0 $0xFFFF3800;
	s6 =	simm.s32 @!p0 $0x50  }
0x75: {  	[tilespmem:s18], [sflag:$0x1] =	stream.indirect.gather @!p0 [hbm4b:s5+s6], $0x80, s8, s6, $0xb8;
	[tilespmem:$0x1C520] =	vst v63  }
0x76: {  	s8 =	simm.s32 @!p0 $0x2B20  }
0x77: {  	[tilespmem:s8], [sflag:$0x1] =	stream.indirect.gather @!p0 [hbm4b:s5+s6], $0x80, s6, s6, $0xb8;
	[tilespmem:$0x1C520] =	vst v63  }
0x78: {  	s18 =	simm.s32 @!p0 $0x5320;
	s8 =	simm.s32 @!p0 $0xA0  }
0x79: {  	[tilespmem:s18], [sflag:$0x1] =	stream.indirect.gather @!p0 [hbm4b:s5+s6], $0x80, s8, s6, $0xb8;
	[tilespmem:$0x1C520] =	vst v63  }
0x7a: {  	s8 =	simm.s32 @!p0 $0xF0;
	s18 =	simm.s32 @!p0 $0x7B20  }
0x7b: {  	[tilespmem:s18], [sflag:$0x1] =	stream.indirect.gather @!p0 [hbm4b:s5+s6], $0x80, s8, s6, $0xb8;
	[tilespmem:$0x1C520] =	vst v63  }
0x7c: {  	s8 =	simm.s32 @!p0 $0x140;
	s18 =	simm.s32 @!p0 $0xA320  }
0x7d: {  	[tilespmem:s18], [sflag:$0x1] =	stream.indirect.gather @!p0 [hbm4b:s5+s6], $0x80, s8, s6, $0xb8;
	[tilespmem:$0x1C520] =	vst v63  }
0x7e: {  	_ =	swait.ge [sflag:s1], $0xC800  }
0x7f: {  	[sflag:s1] =	ssyncset.done $0x0  }
0x80: {  	s18 =	simm.s32 $0x0;
	[sflag:s1] =	ssyncadd.s32 $0xFFFF3800  }
0x81: {  	s19 =	simm.s32 $0x19340;
	v0 =	vld [tilespmem:s18+$0xCB20]  }
0x82: {  	v1 =	vld [tilespmem:s19+$0xFFFFFFE0]  }
0x83: {  	s17 =	sadd.s32 $0x1, s17;
	s6 =	simm.s32 $0x200;
	v2 =	vld [tilespmem:s18+$0x12F20]  }
.LBB2_5:
0x84: {  	p0 =	sne.s32 s6, $0x18E00;
	_ =	sdelay $0x2  }
0x85: {  	v0 =	vadd.f32 v0, v1  }
0x86: {  	v1 =	vadd.f32 v2, v1  }
0x87: {  	[tilespmem:s18+$0xCB20] =	vst v0  }
0x88: {  	[tilespmem:s18+$0x12F20] =	vst v1;
	v0 =	vld [tilespmem:s18+$0xCB30]  }
0x89: {  	v1 =	vld [tilespmem:s19+$0xFFFFFFF0]  }
0x8a: {  	v2 =	vld [tilespmem:s18+$0x12F30];
	_ =	sdelay $0x3  }
0x8b: {  	v0 =	vadd.f32 v0, v1  }
0x8c: {  	v1 =	vadd.f32 v2, v1  }
0x8d: {  	[tilespmem:s18+$0xCB30] =	vst v0;
	v0 =	vld [tilespmem:s18+$0x12F40]  }
0x8e: {  	[tilespmem:s18+$0x12F30] =	vst v1;
	v1 =	vld [tilespmem:s18+$0xCB40]  }
0x8f: {  	v2 =	vld [tilespmem:s19+$0x0];
	_ =	sdelay $0x4  }
0x90: {  	v1 =	vadd.f32 v1, v2;
	v0 =	vadd.f32 v0, v2;
	_ =	sdelay $0x1  }
0x91: {  	[tilespmem:s18+$0x12F40] =	vst v0;
	v0 =	vld [tilespmem:s18+$0x12F50]  }
0x92: {  	[tilespmem:s18+$0xCB40] =	vst v1;
	v1 =	vld [tilespmem:s18+$0xCB50]  }
0x93: {  	v2 =	vld [tilespmem:s19+$0x10];
	_ =	sdelay $0x4  }
0x94: {  	v1 =	vadd.f32 v1, v2;
	v2 =	vadd.f32 v0, v2  }
.Ltmp1:
0x95: {  	(pc) =	sbr.rel @p0 .LBB2_5-.Ltmp1, $4  }
0x96: {  	s8 =	sshra.s32 s6, $0x2;
	[tilespmem:s18+$0xCB50] =	vst v1  }
0x97: {  	s19 =	sadd.s32 $0x40, s19;
	v0 =	vld [tilespmem:s8+$0xCB20];
	[tilespmem:s18+$0x12F50] =	vst v2;
	s18 =	smov.u32 s8  }
0x98: {  	v1 =	vld [tilespmem:s19+$0xFFFFFFE0]  }
0x99: {  	s6 =	sadd.s32 $0x200, s6;
	v2 =	vld [tilespmem:s18+$0x12F20]  }
0x9a: {  	_ =	sdelay $0x2  }
0x9b: {  	v0 =	vadd.f32 v0, v1  }
0x9c: {  	v56 =	vadd.f32 v2, v1  }
0x9d: {  	[tilespmem:s18+$0xCB20] =	vst v0  }
0x9e: {  	v57 =	vld [tilespmem:s18+$0xCB30];
	[tilespmem:s18+$0x12F20] =	vst v56  }
0x9f: {  	v1 =	vld [tilespmem:s19+$0xFFFFFFF0]  }
0xa0: {  	v58 =	vld [tilespmem:s18+$0x12F30];
	_ =	sdelay $0x3  }
0xa1: {  	v0 =	vadd.f32 v57, v1  }
0xa2: {  	v1 =	vadd.f32 v58, v1  }
0xa3: {  	[tilespmem:s18+$0xCB30] =	vst v0  }
0xa4: {  	v59 =	vld [tilespmem:s18+$0x12F40];
	[tilespmem:s18+$0x12F30] =	vst v1  }
0xa5: {  	v1 =	vld [tilespmem:s19+$0x0]  }
0xa6: {  	v60 =	vld [tilespmem:s18+$0xCB40];
	_ =	sdelay $0x3  }
0xa7: {  	v0 =	vadd.f32 v59, v1  }
0xa8: {  	v1 =	vadd.f32 v60, v1  }
0xa9: {  	[tilespmem:s18+$0x12F40] =	vst v0  }
0xaa: {  	v62 =	vld [tilespmem:s18+$0xCB50];
	[tilespmem:s18+$0xCB40] =	vst v1  }
0xab: {  	v63 =	vld [tilespmem:s19+$0x10]  }
0xac: {  	v61 =	vld [tilespmem:s18+$0x12F50];
	_ =	sdelay $0x2  }
0xad: {  	p0 =	sne.s32 s17, $0x20  }
.Ltmp2:
0xae: {  	v1 =	vadd.f32 v62, v63;
	(pc) =	sbr.rel @p0 .LBB2_2-.Ltmp2, $4  }
0xaf: {  	s6 =	sshll.u32 s16, $0x4;
	v0 =	vadd.f32 v61, v63  }
0xb0: {  	s6 =	sand.u32 $0x1FFFFF00, s6;
	[tilespmem:s18+$0xCB50] =	vst v1  }
0xb1: {  	s6 =	sadd.s32 s7, s6;
	[tilespmem:s18+$0x12F50] =	vst v0  }
0xb2: {  	[hbm4b:s6+s2] =	stream.linear.scatter [tilespmem:s22], [sflag:$0x4], $0xC800, $0x38;
	[tilespmem:$0x1C520] =	vst v63  }
0xb3: {  	s15 =	sadd.s32 $0x1, s15  }
0xb4: {  	_ =	swait.ge [sflag:s10], $0xC800;
	p0 =	sne.s32 s15, s9  }
.Ltmp3:
0xb5: {  	[sflag:s10] =	ssyncset.done $0x0;
	(pc) =	sbr.rel @p0 .LBB2_1-.Ltmp3, $4  }
0xb6: {  	[sflag:s10] =	ssyncadd.s32 $0xFFFF3800  }
0xb7: {  	_ =	swait.ge [sflag:s14], $0xC800  }
0xb8: {  	[sflag:s14] =	ssyncset.done $0x0  }
0xb9: {  	[sflag:s14] =	ssyncadd.s32 $0xFFFF3800  }
0xba: {  	_ =	sfence.sel $0x180000  }
0xbb: {  	[bflag:$0x0] =	sbarrier.arrive $0xFFFF  }
0xbc: {  	_ =	strace $0x90000047  }
0xbd: {  	s0 =	stileid.u32;
	[bflag:$0x2] =	sbarrier.arrive $0xFFFF  }
0xbe: {  	p0 =	sne.s32 s0, $0x0;
	s0 =	rddreg [dreg:$0x1]  }
0xbf: {  	s0 =	sadd.s32 @!p0 $0x100000, s0  }
0xc0: {  	[sflag:s0] =	ssyncadd.tile.s32 @!p0 $0x1;
	_ =	shalt  }
.Lfunc_end2:
_tile_overlayer_lowered:
.L_overlay_start_2:
0xc1: {  	(tag) =	ssettag $0x2  }
0xc2: {  	s0 =	rddreg [dreg:$0x0];
	s2 =	stileid.u32  }
0xc3: {  	s1 =	rddreg [dreg:$0x1];
	p0 =	sne.s32 s2, $0x0  }
0xc4: {  	s3 =	rddreg [dreg:$0x2];
	[bflag:$0x3] =	sbarrier.arrive $0xFFFF;
	s2 =	simm.s32 @!p0 $0x1C05  }
0xc5: {  	[timem:s3], [sflag:s2] =	dma.local @!p0 [hbm:s0], s1  }
0xc6: {  	s0 =	simm.s32 @!p0 $0x5  }
0xc7: {  	_ =	swait.ge @!p0 [sflag:s0], s1  }
0xc8: {  	s1 =	ssub.s32 @!p0 $0x0, s1;
	[sflag:s0] =	ssyncset.done @!p0 $0x0  }
0xc9: {  	[sflag:s0] =	ssyncadd.s32 @!p0 s1  }
0xca: {  	[bflag:$0x3] =	sbarrier.arrive $0xFFFF  }
0xcb: {  	_ =	shalt  }

// kernel: sparse-core-data-format-call.cloned.1.call-start
scs
called_computation_lowered:
.L_overlay_start_0:
0x0: {  	s2 =	sld [smem:$0x3FD9]  }
0x1: {  	s3 =	sld [smem:$0x3FFE];
	_ =	sdelay $0x1  }
0x2: {  	s1 =	srdreg.scid  }
0x3: {  	s0 =	sand.u32 $0x1, s1  }
0x4: {  	s18 =	sshll.u32 s0, $0xA;
	s2 =	sadd.s32 s3, s2  }
0x5: {  	s2 =	sadd.s32 s2, s18  }
0x6: {  	[smem:$0x3FC5] =	sst s2  }
0x7: {  	_ = 	snop  }
0x8: {  	s2 =	sld [smem:$0x3FD0];
	(tm) =	ssettm $0x1  }
0x9: {  	s19 =	sld [smem:$0x3FFB];
	_ =	sdelay $0x3  }
0xa: {  	_ =	strace s19  }
0xb: {  	s3 =	sld [smem:$0x3FFC];
	_ =	sdelay $0x3  }
0xc: {  	_ =	strace s3  }
0xd: {  	s3 =	sld [smem:$0x3FFD];
	_ =	sdelay $0x3  }
0xe: {  	_ =	strace s3  }
0xf: {  	_ =	strace $0x8FFFFFFF  }
0x10: {  	s20 =	sld [smem:$0x3FDB];
	_ =	sdelay $0x1  }
0x11: {  	s4 =	simm.s32 $_scs_section_size  }
0x12: {  	s5 =	simm.s32 $_size__tile_overlayer_lowered;
	s6 =	simm.s32 $_tile_overlayer_lowered  }
0x13: {  	s23 =	simm.s32 $0x1BFF;
	s22 =	sshll.u32 s6, $0x1;
	s3 =	sadd.s32 s4, s20  }
0x14: {  	s7 =	simm.s32 $0x0;
	s21 =	sshll.u32 s5, $0x1;
	s5 =	sadd.s32 s22, s3  }
0x15: {  	[timem:s7], [sflag:s23] =	dma.local [hbm:s5], s21  }
0x16: {  	_ =	swait.ge [sflag:s23], s21  }
0x17: {  	s4 =	ssub.s32 $0x0, s21;
	[sflag:s23] =	ssyncset.done $0x0  }
0x18: {  	[sflag:s23] =	ssyncadd.s32 s4;
	_ =	sdelay $0x1  }
0x19: {  	s24 =	simm.s32 $0x1B8B  }
0x1a: {  	_ =	swait.ge [sflag:s24], $0x1  }
0x1b: {  	[sflag:s24] =	ssyncset.done $0x0  }
0x1c: {  	s26 =	simm.s32 $0x1B8E;
	s25 =	sld [smem:$0x3FFE];
	[sflag:s24] =	ssyncadd.s32 $0xFFFFFFFF  }
0x1d: {  	s27 =	simm.s32 $execute0_lowered;
	[smem:$0x3FD2] =	sst s26  }
0x1e: {  	s5 =	sshll.u32 s27, $0x1;
	_ =	strace $0x80000049;
	[dreg:$0x1] =	wrdreg $0xFFFFFFFF  }
0x1f: {  	s28 =	simm.s32 $_size_execute0_lowered;
	s3 =	sadd.s32 s3, s5;
	[dreg:$0x0] =	wrdreg $0x0  }
0x20: {  	s5 =	sshll.u32 s28, $0x1;
	[dreg:$0x2] =	wrdreg s3  }
0x21: {  	[dreg:$0x3] =	wrdreg s5  }
0x22: {  	[dreg:$0x4] =	wrdreg $0xC0  }
0x23: {  	_ =	task [dreg:s7], $0x5FFFF  }
0x24: {  	[dreg:$0x1] =	wrdreg $0xFFFFFFFF  }
0x25: {  	[dreg:$0x0] =	wrdreg $0x60  }
0x26: {  	[dreg:$0x2] =	wrdreg s25  }
0x27: {  	[dreg:$0x3] =	wrdreg s2  }
0x28: {  	[dreg:$0x4] =	wrdreg $0x9  }
0x29: {  	_ =	task.clear_ibuf [dreg:s7], $0x5FFFF;
	_ =	strace $0x90000049  }
0x2a: {  	s29 =	simm.s32 $0x9;
	_ =	strace $0x8000004B  }
0x2b: {  	_ =	swait.ge [sflag:s29], $0x1  }
0x2c: {  	[sflag:s29] =	ssyncadd.s32 $0xFFFFFFFF  }
0x2d: {  	_ =	strace $0x9000004B  }
0x2e: {  	_ =	sfence  }
0x2f: {  	s30 =	sld [smem:$0x0];
	_ =	sdelay $0x2  }
0x30: {  	s31 =	sshll.u32 s1, $0xD;
	s1 =	sshrl.u32 s1, $0x2  }
0x31: {  	s3 =	sand.u32 $0x4000, s31;
	s1 =	sadd.s32 s1, s30  }
0x32: {  	s0 =	sor.u32 s3, s0;
	s1 =	sshll.u32 s1, $0x11  }
0x33: {  	s0 =	sor.u32 s1, s0  }
0x34: {  	s0 =	sadd.s32 $0x8F2B, s0  }
0x35: {  	[sflag:s0] =	ssyncadd.remote.s32 $0x1  }
0x36: {  	_ =	sfence.sel $0xFFFF  }
0x37: {  	[dreg:$0x0] =	wrdreg $0xFFFFFFFF;
	(pc) =	sbr.abs _section_cstart, $3  }
0x38: {  	[dreg:$0x1] =	wrdreg $0xFFFFFFFF  }
0x39: {  	_ =	task.clear_ibuf [dreg:s7], $0x2FFFF;
	_ =	strace $0x9FFFFFFF  }
0x3a: {  	(tm) =	ssettm $0x7FFFFFFF  }
0x3b: {  	_ =	shalt  }
tec
execute0_lowered:
.L_overlay_start_1:
0x0: {  	(tag) =	ssettag $0x1  }
0x1: {  	s0 =	srdreg.scid  }
0x2: {  	s1 =	sshll.u32 s0, $0x4  }
0x3: {  	s0 =	stileid.u32;
	s1 =	sand.u32 $0x10, s1  }
0x4: {  	s1 =	sor.u32 s0, s1  }
0x5: {  	s6 =	rddreg [dreg:$0x0];
	s4 =	simm.s32 $0x1;
	s2 =	sshll.u32 s1, $0x7  }
0x6: {  	s7 =	simm.s32 $0x2;
	s12 =	simm.s32 $0x0;
	s1 =	ssub.s32 $0x1000, s2  }
0x7: {  	s8 =	simm.s32 $0x8000;
	s13 =	simm.s32 $0x0;
	s3 =	sand.u32 $0xF80, s1  }
0x8: {  	s9 =	simm.s32 $0x0;
	s5 =	sshrl.u32 s1, $0xC;
	p0 =	sne.s32 s3, $0x0  }
.Ltmp0:
0x9: {  	s1 =	rddreg [dreg:$0x2];
	s4 =	simm.s32 @!p0 $0x0;
	(pc) =	sbr.rel .LBB1_1-.Ltmp0, $4  }
0xa: {  	s11 =	simm.s32 $0x0;
	s3 =	rddreg [dreg:$0x1];
	s5 =	sadd.s32 s4, s5  }
0xb: {  	_ =	strace $0x8000004A;
	s4 =	simm.s32 $0x1;
	s5 =	smul.u32 $0xC8, s5  }
0xc: {  	s6 =	sadd.s32 $0x1A0A00, s6;
	s10 =	smov.u32 s2;
	[sflag:s4] =	ssyncpa.u1 $0x0  }
0xd: {  	p0 =	por $0x0, $0x0;
	[sflag:s7] =	ssyncpa.u1 $0x0;
	s7 =	sor.u32 $0x1, s5  }
.LBB1_4:
0xe: {  	s16 =	sshll.u32 s13, $0x3;
	s17 =	sand.u32 $0x78, s13  }
0xf: {  	s30 =	sand.u32 $0x7E00, s13;
	s12 =	sshll.u32 s12, $0xF;
	s16 =	sand.u32 $0xC00, s16  }
0x10: {  	[tilespmem:s15+$0x810 ss:$0x81] =	vst.msk $0xffff, v2;
	s31 =	sand.u32 $0x7, s13;
	s16 =	sor.u32 s17, s16;
	s17 =	sadd.s32 s3, s30  }
0x11: {  	[tilespmem:s15+$0x1020 ss:$0x81] =	vst.msk $0xffff, v0;
	s13 =	sshll.u32 s31, $0x12;
	s12 =	sadd.s32 s12, s17;
	s16 =	sshrl.u32 s16, $0x3  }
0x12: {  	[tilespmem:s15+$0x0 ss:$0x81] =	vst.msk $0xffff, v1;
	s13 =	sor.u32 $0x400, s13;
	s12 =	sadd.s32 s16, s12  }
0x13: {  	[hbm4b:s12+s13] =	stream.strided.scatter [tilespmem:s14], [sflag:$0x2], $0x2000, s8, s13, $0x20;
	[tilespmem:$0x8080] =	vst v63  }
.LBB1_5:
0x14: {  	s14 =	sadd.s32 $0x1, s9  }
0x15: {  	s12 =	sadd.s32 $0x1000, s10;
	s16 =	smov.u32 s10;
	p2 =	sgt.s32 s14, $0xC7  }
0x16: {  	s16 =	smov.u32 @p2 s12  }
0x17: {  	s14 =	simm.s32 @p2 $0x0;
	p2 =	sgt.s32 s16, $0xFFF  }
0x18: {  	s16 =	smov.u32 @p2 s2;
	p2 =	sne.s32 s11, s7  }
.Ltmp1:
0x19: {  	p1 =	slt.u32 s11, $0x2;
	(pc) =	sbr.rel @!p2 .LBB1_6-.Ltmp1, $4  }
0x1a: {  	s15 =	simm.s32 @!p1 $0x2  }
0x1b: {  	s13 =	smov.u32 s10;
	p0 =	por !p0, !p0;
	_ =	swait.ge @!p1 [sflag:s15], $0x2000  }
0x1c: {  	s12 =	smov.u32 s9;
	[sflag:s15] =	ssyncset.done @!p1 $0x0;
	s9 =	smov.u32 s14  }
0x1d: {  	s11 =	sadd.s32 $0x1, s11;
	[sflag:s15] =	ssyncadd.s32 @!p1 $0xFFFFE000;
	s10 =	smov.u32 s16  }
.LBB1_1:
0x1e: {  	p1 =	sge.u32 s11, s5  }
0x1f: {  	s14 =	sand.u32 @!p1 $0x1FFFFFF, s9  }
0x20: {  	s15 =	smulhi.u32 @!p1 $0x147AE15, s14;
	_ =	sdelay $0x1  }
0x21: {  	s15 =	smul.u32 @!p1 $0xC8, s15  }
0x22: {  	s16 =	sxor.u32 @!p1 $0xFFFFFFFF, s11;
	s17 =	smul.u32 @!p1 $0xC80, s10  }
0x23: {  	s31 =	sadd.s32 $0xFFFFFFFF, s11;
	s16 =	sshll.u32 @!p1 s16, $0xD;
	s14 =	ssub.s32 @!p1 s14, s15  }
0x24: {  	s15 =	sand.u32 @!p1 $0x2000, s16;
	s16 =	sadd.s32 @!p1 s6, s17;
	s14 =	sshll.u32 @!p1 s14, $0x4  }
0x25: {  	s17 =	simm.s32 @!p1 $0x6400;
	s14 =	sadd.s32 @!p1 s14, s16;
	s16 =	simm.s32 @!p1 $0x40  }
0x26: {  	[tilespmem:s15], [sflag:$0x1] =	stream.strided.gather @!p1 [hbm4b:s14+s16], $0x2000, s17, s16, $0x38;
	[tilespmem:$0x8080] =	vst v63  }
0x27: {  	p1 =	sge.u32 s31, s5  }
.Ltmp2:
0x28: {  	_ = 	snop;
	(pc) =	sbr.rel @p1 .LBB1_5-.Ltmp2, $1  }
0x29: {  	_ =	sdelay $0x3  }
0x2a: {  	s14 =	simm.s32 $0x1  }
0x2b: {  	_ =	swait.ge [sflag:s4], $0x2000;
	s14 =	simm.s32 @!p0 $0x0  }
0x2c: {  	[sflag:s4] =	ssyncset.done $0x0;
	s15 =	sshll.u32 s14, $0xD  }
0x2d: {  	[sflag:s4] =	ssyncadd.s32 $0xFFFFE000;
	s18 =	sor.u32 $0x20, s15  }
0x2e: {  	s14 =	smul.u32 $0x8100, s14;
	v3 =	vld [tilespmem:s18+$0x10]  }
0x2f: {  	s30 =	sand.u32 $0x1, s11;
	v2 =	vld [tilespmem:s18+$0xFFFFFFF0]  }
0x30: {  	s15 =	smul.u32 $0x8100, s30;
	s14 =	sshrl.u32 s14, $0x2;
	v0 =	vld [tilespmem:s18+$0x0]  }
0x31: {  	v1 =	vld [tilespmem:s18+$0xFFFFFFE0];
	s16 =	sor.u32 $0x4000, s14  }
0x32: {  	s31 =	sshrl.u32 s15, $0x2;
	s15 =	sadd.s32 $0x0, s16  }
0x33: {  	s17 =	simm.s32 $0x4;
	s18 =	sadd.s32 $0x40, s18;
	s14 =	sor.u32 $0x4000, s31;
	[tilespmem:s15+$0x1830 ss:$0x81] =	vst.msk $0xffff, v3  }
.LBB1_3:
0x34: {  	v3 =	vld [tilespmem:s18+$0x10];
	p1 =	sne.s32 s17, $0x1FC;
	[tilespmem:s15+$0x810 ss:$0x81] =	vst.msk $0xffff, v2;
	s19 =	smov.u32 s17;
	s17 =	sadd.s32 $0x4, s17  }
.Ltmp3:
0x35: {  	v2 =	vld [tilespmem:s18+$0xFFFFFFF0];
	[tilespmem:s15+$0x1020 ss:$0x81] =	vst.msk $0xffff, v0;
	(pc) =	sbr.rel @p1 .LBB1_3-.Ltmp3, $4  }
0x36: {  	v0 =	vld [tilespmem:s18+$0x0];
	[tilespmem:s15+$0x0 ss:$0x81] =	vst.msk $0xffff, v1  }
0x37: {  	s15 =	sshra.s32 s19, $0x2;
	v1 =	vld [tilespmem:s18+$0xFFFFFFE0]  }
0x38: {  	s15 =	sadd.s32 s15, s16  }
0x39: {  	s18 =	sadd.s32 $0x40, s18;
	[tilespmem:s15+$0x1830 ss:$0x81] =	vst.msk $0xffff, v3  }
.Ltmp4:
0x3a: {  	_ = 	snop;
	(pc) =	sbr.rel .LBB1_4-.Ltmp4, $1  }
0x3b: {  	_ =	sdelay $0x3  }
.LBB1_6:
0x3c: {  	_ =	sfence.sel $0x180000  }
0x3d: {  	s2 =	simm.s32 $0x1;
	[bflag:$0x0] =	sbarrier.arrive $0xFFFF  }
0x3e: {  	s31 =	simm.s32 $0x2;
	[sflag:s2] =	ssyncpa.u1 $0x1  }
0x3f: {  	[sflag:s31] =	ssyncpa.u1 $0x1  }
0x40: {  	p0 =	sne.s32 s0, $0x0;
	_ =	strace $0x9000004A  }
0x41: {  	s0 =	sadd.s32 @!p0 $0x100000, s1;
	[bflag:$0x2] =	sbarrier.arrive $0xFFFF  }
0x42: {  	[sflag:s0] =	ssyncadd.tile.s32 @!p0 $0x1;
	_ =	shalt  }
.Lfunc_end1:
_tile_overlayer_lowered:
.L_overlay_start_2:
0x43: {  	(tag) =	ssettag $0x2  }
0x44: {  	s0 =	rddreg [dreg:$0x0];
	s2 =	stileid.u32  }
0x45: {  	s1 =	rddreg [dreg:$0x1];
	p0 =	sne.s32 s2, $0x0  }
0x46: {  	s3 =	rddreg [dreg:$0x2];
	[bflag:$0x3] =	sbarrier.arrive $0xFFFF;
	s2 =	simm.s32 @!p0 $0x1C01  }
0x47: {  	[timem:s3], [sflag:s2] =	dma.local @!p0 [hbm:s0], s1  }
0x48: {  	s0 =	simm.s32 @!p0 $0x1  }
0x49: {  	_ =	swait.ge @!p0 [sflag:s0], s1  }
0x4a: {  	s1 =	ssub.s32 @!p0 $0x0, s1;
	[sflag:s0] =	ssyncset.done @!p0 $0x0  }
0x4b: {  	[sflag:s0] =	ssyncadd.s32 @!p0 s1  }
0x4c: {  	[bflag:$0x3] =	sbarrier.arrive $0xFFFF  }
0x4d: {  	_ =	shalt  }

</sc_bundles>
